<compile_context>
chip_gen: v7x
topology: tpu7x:2x2x1
jax: 0.10.2.dev20260603
libtpu: 0.0.44.dev20260713+nightly
codegen_flags: <defaults>
</compile_context>

<pallas_src>
import functools

import jax
import jax.numpy as jnp
from jax import lax
from jax.experimental import pallas as pl
from jax.experimental.pallas import tpu as pltpu
from jax.experimental.pallas import tpu_sc as plsc

D = 1024
HD = 64
NH = 16
M = 16
DFF = 4096
S = 2048
CAP = 160
MCAP = M * CAP
BUF_ROWS = MCAP + 8
EPS = 1e-9
BR = 256
BQ = 256
BK = 256
NF = 4
FB = DFF // NF
HI = lax.Precision.HIGHEST
F32 = jnp.float32
NEG = -1e30

_SQRT2_INV = 0.7071067811865476

_ERF_T = [+7.853861353153693e-5, -8.010193625184903e-4, +5.188327685732524e-3,
          -2.685381193529856e-2, +1.128358514861418e-1, -3.761262582423300e-1,
          +1.128379165726710e+0]
_ERFC_P = [+2.326819970068386e-2, -1.387039388740657e-1, +3.687424674597105e-1,
           -5.824733027278666e-1, +6.210004621745983e-1, -4.944515323274145e-1,
           +3.404879937665872e-1, -2.741127028184656e-1, +5.638259427386472e-1]
_ERFC_R = [-1.047766399936249e+1, +1.297719955372516e+1, -7.495518717768503e+0,
           +2.921019019210786e+0, -1.015265279202700e+0, +4.218463358204948e-1,
           -2.820767439740514e-1, +5.641895067754075e-1]


def _poly(y, coefs):
    acc = jnp.zeros_like(y)
    for c in coefs:
        acc = acc * y + jnp.float32(c)
    return acc


def _erfc(x):
    ax = jnp.abs(x)
    z = jnp.exp(-x * x)
    q = 1.0 / ax
    y = q * q
    p = jnp.where(ax < 2.0, _poly(y, _ERFC_P), _poly(y, _ERFC_R))
    yv = z * q * p
    yv = jnp.where(-(x * x) < jnp.float32(-88.72283905206835), 0.0, yv)
    big = jnp.where(x < 0.0, 2.0 - yv, yv)
    small = 1.0 - x * _poly(x * x, _ERF_T)
    return jnp.where(ax > 1.0, big, small)


def _gelu_exact(x):
    return 0.5 * x * _erfc(-x * _SQRT2_INV)


def _gelu(x):
    return 0.5 * x * (1.0 + lax.erf(x * _SQRT2_INV))


def _layernorm(xb, g, b):
    mean = jnp.mean(xb, axis=-1, keepdims=True)
    d = xb - mean
    var = jnp.sum(d * d, axis=-1, keepdims=True) / jnp.float32(D - 1)
    return d / jnp.sqrt(var + EPS) * g + b



def _qkv_body(x_ref, w_ref, b_ref, g_ref, bln_ref, o_ref):
    xn = _layernorm(x_ref[...], g_ref[...], bln_ref[...])
    o_ref[...] = (
        jnp.dot(xn, w_ref[...], preferred_element_type=F32)
        + b_ref[...]
    )


def _qkv_call(xf, wqkv, bqkv, g, b):
    return pl.pallas_call(
        _qkv_body,
        grid=(S // BR,),
        in_specs=[
            pl.BlockSpec((BR, D), lambda i: (i, 0)),
            pl.BlockSpec((D, 3 * D), lambda i: (0, 0)),
            pl.BlockSpec((1, 3 * D), lambda i: (0, 0)),
            pl.BlockSpec((1, D), lambda i: (0, 0)),
            pl.BlockSpec((1, D), lambda i: (0, 0)),
        ],
        out_specs=pl.BlockSpec((BR, 3 * D), lambda i: (i, 0)),
        out_shape=jax.ShapeDtypeStruct((S, 3 * D), F32),
    )(xf, wqkv, bqkv, g, b)



def _attn_body(q_ref, kt_ref, v_ref, o_ref, p_ref):
    i = pl.program_id(1)
    q = q_ref[0] * 0.125
    rows = lax.broadcasted_iota(jnp.int32, (BQ, BK), 0) + i * BQ

    def pass1(j, mx):
        off = pl.multiple_of(j * BK, BK)
        s = jnp.dot(q, kt_ref[0, :, pl.ds(off, BK)],
                    preferred_element_type=F32)
        cols = lax.broadcasted_iota(jnp.int32, (BQ, BK), 1) + j * BK
        s = jnp.where(cols > rows, NEG, s)
        p_ref[:, pl.ds(off, BK)] = s
        return jnp.maximum(mx, jnp.max(s, axis=-1, keepdims=True))

    mx = lax.fori_loop(0, i + 1, pass1, jnp.full((BQ, 1), NEG, F32))

    def pass2(j, l):
        off = pl.multiple_of(j * BK, BK)
        p = jnp.exp(p_ref[:, pl.ds(off, BK)] - mx)
        p_ref[:, pl.ds(off, BK)] = p
        return l + jnp.sum(p, axis=-1, keepdims=True)

    l = lax.fori_loop(0, i + 1, pass2, jnp.zeros((BQ, 1), F32))

    def pass3(j, acc):
        off = pl.multiple_of(j * BK, BK)
        a = p_ref[:, pl.ds(off, BK)] / l
        vblk = v_ref[0, pl.ds(off, BK), :]
        return acc + jnp.dot(a, vblk, preferred_element_type=F32)

    o_ref[0] = lax.fori_loop(0, i + 1, pass3, jnp.zeros((BQ, HD), F32))


def _attn_call(q, kt, v):
    return pl.pallas_call(
        _attn_body,
        grid=(NH, S // BQ),
        in_specs=[
            pl.BlockSpec((1, BQ, HD), lambda h, i: (h, i, 0)),
            pl.BlockSpec((1, HD, S), lambda h, i: (h, 0, 0)),
            pl.BlockSpec((1, S, HD), lambda h, i: (h, 0, 0)),
        ],
        out_specs=pl.BlockSpec((1, BQ, HD), lambda h, i: (h, i, 0)),
        out_shape=jax.ShapeDtypeStruct((NH, S, HD), F32),
        scratch_shapes=[pltpu.VMEM((BQ, S), F32)],
    )(q, kt, v)



def _post_body(x_ref, p_ref, w_ref, b_ref, g_ref, bln_ref, x2_ref, h2_ref):
    x2 = (
        x_ref[...]
        + jnp.dot(p_ref[...], w_ref[...], preferred_element_type=F32)
        + b_ref[...]
    )
    x2_ref[...] = x2
    h2_ref[...] = _layernorm(x2, g_ref[...], bln_ref[...])


def _post_call(xf, pre2, wot, bo, g, b):
    return pl.pallas_call(
        _post_body,
        grid=(S // BR,),
        in_specs=[
            pl.BlockSpec((BR, D), lambda i: (i, 0)),
            pl.BlockSpec((BR, D), lambda i: (i, 0)),
            pl.BlockSpec((D, D), lambda i: (0, 0)),
            pl.BlockSpec((1, D), lambda i: (0, 0)),
            pl.BlockSpec((1, D), lambda i: (0, 0)),
            pl.BlockSpec((1, D), lambda i: (0, 0)),
        ],
        out_specs=[
            pl.BlockSpec((BR, D), lambda i: (i, 0)),
            pl.BlockSpec((BR, D), lambda i: (i, 0)),
        ],
        out_shape=[
            jax.ShapeDtypeStruct((S, D), F32),
            jax.ShapeDtypeStruct((S, D), F32),
        ],
    )(xf, pre2, wot, bo, g, b)



def _router_body(h_ref, w1_ref, b1_ref, w2_ref, b2_ref, o_ref):
    hid = (
        jnp.dot(h_ref[...], w1_ref[...], preferred_element_type=F32)
        + b1_ref[...]
    )
    hid = _gelu_exact(hid)
    o_ref[...] = (
        jnp.dot(hid, w2_ref[...], preferred_element_type=F32)
        + b2_ref[...]
    )


def _router_call(h2, w1t, b1, w2p, b2p):
    return pl.pallas_call(
        _router_body,
        grid=(S // BR,),
        in_specs=[
            pl.BlockSpec((BR, D), lambda i: (i, 0)),
            pl.BlockSpec((D, DFF), lambda i: (0, 0)),
            pl.BlockSpec((1, DFF), lambda i: (0, 0)),
            pl.BlockSpec((DFF, 128), lambda i: (0, 0)),
            pl.BlockSpec((1, 128), lambda i: (0, 0)),
        ],
        out_specs=pl.BlockSpec((BR, 128), lambda i: (i, 0)),
        out_shape=jax.ShapeDtypeStruct((S, 128), F32),
    )(h2, w1t, b1, w2p, b2p)



def _meta_body(lg_ref, safe_ref, safec_ref, keep_ref, run_ref):
    i = pl.program_id(0)

    @pl.when(i == 0)
    def _():
        run_ref[...] = jnp.zeros_like(run_ref)

    lg = lg_ref[...]
    lane = lax.broadcasted_iota(jnp.int32, (BR, 128), 1)
    mx = jnp.max(lg, axis=-1, keepdims=True)
    idxv = jnp.min(jnp.where(lg == mx, lane, 128), axis=-1, keepdims=True)
    oh = (lane == idxv).astype(F32)
    r_i = lax.broadcasted_iota(jnp.int32, (BR, BR), 0)
    c_i = lax.broadcasted_iota(jnp.int32, (BR, BR), 1)
    tri = (c_i <= r_i).astype(F32)
    incl = jnp.dot(tri, oh, preferred_element_type=F32) + run_ref[...]
    run_ref[...] = run_ref[...] + jnp.sum(oh, axis=0, keepdims=True)
    pos = jnp.sum(incl * oh, axis=-1, keepdims=True).astype(jnp.int32) - 1
    keep = pos < CAP
    slot = idxv * CAP + pos
    safe_ref[...] = jnp.where(keep, slot, MCAP)
    safec_ref[...] = jnp.where(keep, slot, 0)
    keep_ref[...] = keep.astype(jnp.int32)


def _meta_call(logits_pad):
    return pl.pallas_call(
        _meta_body,
        grid=(S // BR,),
        in_specs=[pl.BlockSpec((BR, 128), lambda i: (i, 0))],
        out_specs=[
            pl.BlockSpec((BR, 1), lambda i: (i, 0)),
            pl.BlockSpec((BR, 1), lambda i: (i, 0)),
            pl.BlockSpec((BR, 1), lambda i: (i, 0)),
        ],
        out_shape=[
            jax.ShapeDtypeStruct((S, 1), jnp.int32),
            jax.ShapeDtypeStruct((S, 1), jnp.int32),
            jax.ShapeDtypeStruct((S, 1), jnp.int32),
        ],
        scratch_shapes=[pltpu.VMEM((1, 128), F32)],
    )(logits_pad)



_NW = 32
_TPW = S // _NW


@functools.cache
def _sc_kernels():
    mesh = plsc.VectorSubcoreMesh(core_axis_name="c", subcore_axis_name="s")

    @functools.partial(
        pl.kernel,
        out_type=jax.ShapeDtypeStruct((BUF_ROWS, D), F32),
        mesh=mesh,
        scratch_types=[
            pltpu.VMEM((_TPW,), jnp.int32),
            pltpu.VMEM((_TPW, D), F32),
            pltpu.SemaphoreType.DMA,
            pltpu.SemaphoreType.DMA,
        ],
    )
    def dispatch(h2_hbm, safe_hbm, buf_hbm, idx_v, rows_v, sem_in, sem_out):
        wid = lax.axis_index("s") * 2 + lax.axis_index("c")
        base = wid * _TPW
        pltpu.sync_copy(safe_hbm.at[pl.ds(base, _TPW)], idx_v)
        pltpu.async_copy(h2_hbm.at[pl.ds(base, _TPW)], rows_v, sem_in).wait()
        pltpu.async_copy(rows_v, buf_hbm.at[idx_v], sem_out).wait()

    @functools.partial(
        pl.kernel,
        out_type=jax.ShapeDtypeStruct((S, D), F32),
        mesh=mesh,
        scratch_types=[
            pltpu.VMEM((_TPW,), jnp.int32),
            pltpu.VMEM((_TPW, D), F32),
            pltpu.SemaphoreType.DMA,
        ],
    )
    def combine(eo_hbm, safec_hbm, gat_hbm, idx_v, rows_v, sem_in):
        wid = lax.axis_index("s") * 2 + lax.axis_index("c")
        base = wid * _TPW
        pltpu.sync_copy(safec_hbm.at[pl.ds(base, _TPW)], idx_v)
        pltpu.async_copy(eo_hbm.at[idx_v], rows_v, sem_in).wait()
        pltpu.sync_copy(rows_v, gat_hbm.at[pl.ds(base, _TPW)])

    return dispatch, combine


def _sc_dispatch(h2, safe):
    return _sc_kernels()[0](h2, safe)


def _sc_combine(eo, safec):
    return _sc_kernels()[1](eo, safec)



def _expert_body(x_ref, w1_ref, w2_ref, o_ref, acc_ref):
    f = pl.program_id(1)
    xb = x_ref[...].astype(jnp.bfloat16)
    h = jnp.dot(xb, w1_ref[0].astype(jnp.bfloat16),
                preferred_element_type=F32)
    h = _gelu(h).astype(jnp.bfloat16)
    part = jnp.dot(h, w2_ref[0].astype(jnp.bfloat16),
                   preferred_element_type=F32)

    @pl.when(f == 0)
    def _():
        acc_ref[...] = part

    @pl.when(f > 0)
    def _():
        acc_ref[...] = acc_ref[...] + part

    @pl.when(f == NF - 1)
    def _():
        o_ref[...] = acc_ref[...]


def _expert_call(buf, mlp1, mlp2):
    return pl.pallas_call(
        _expert_body,
        grid=(M, NF),
        in_specs=[
            pl.BlockSpec((CAP, D), lambda m, f: (m, 0)),
            pl.BlockSpec((1, D, FB), lambda m, f: (m, 0, f)),
            pl.BlockSpec((1, FB, D), lambda m, f: (m, f, 0)),
        ],
        out_specs=pl.BlockSpec((CAP, D), lambda m, f: (m, 0)),
        out_shape=jax.ShapeDtypeStruct((MCAP, D), F32),
        scratch_shapes=[pltpu.VMEM((CAP, D), F32)],
    )(buf, mlp1, mlp2)



def _final_body(x2_ref, gat_ref, h2_ref, keep_ref, o_ref):
    k = keep_ref[...] > 0
    o_ref[...] = x2_ref[...] + jnp.where(k, gat_ref[...], h2_ref[...])


def _final_call(x2, gat, h2, keep):
    return pl.pallas_call(
        _final_body,
        grid=(S // BR,),
        in_specs=[
            pl.BlockSpec((BR, D), lambda i: (i, 0)),
            pl.BlockSpec((BR, D), lambda i: (i, 0)),
            pl.BlockSpec((BR, D), lambda i: (i, 0)),
            pl.BlockSpec((BR, 1), lambda i: (i, 0)),
        ],
        out_specs=pl.BlockSpec((BR, D), lambda i: (i, 0)),
        out_shape=jax.ShapeDtypeStruct((S, D), F32),
    )(x2, gat, h2, keep)



def kernel(x, ln1_b, ln1_g, Wq, bq, Wk, bk, Wv, bv, Wo, bo,
           ln2_b, ln2_g, rw1, rb1, rw2, rb2, mlp1, mlp2):
    xf = x.reshape(S, D)
    wqkv = jnp.concatenate([Wq.T, Wk.T, Wv.T], axis=1)
    bqkv = jnp.concatenate([bq, bk, bv]).reshape(1, 3 * D)
    qkv = _qkv_call(xf, wqkv, bqkv, ln1_g.reshape(1, D), ln1_b.reshape(1, D))

    q = qkv[:, :D].reshape(S, NH, HD).transpose(1, 0, 2)
    kt = qkv[:, D:2 * D].reshape(S, NH, HD).transpose(1, 2, 0)
    v = qkv[:, 2 * D:].reshape(S, NH, HD).transpose(1, 0, 2)
    pre = _attn_call(q, kt, v)
    pre2 = pre.transpose(1, 0, 2).reshape(S, D)

    x2, h2 = _post_call(xf, pre2, Wo.T, bo.reshape(1, D),
                        ln2_g.reshape(1, D), ln2_b.reshape(1, D))

    w2p = jnp.concatenate([rw2.T, jnp.zeros((DFF, 128 - M), F32)], axis=1)
    b2p = jnp.concatenate([rb2, jnp.full((128 - M,), NEG, F32)]).reshape(1, 128)
    logits_pad = _router_call(h2, rw1.T, rb1.reshape(1, DFF), w2p, b2p)

    safe, safec, keep = _meta_call(logits_pad)

    buf = _sc_dispatch(h2, safe.reshape(S))
    eo = _expert_call(buf, mlp1, mlp2)
    gat = _sc_combine(eo, safec.reshape(S))

    out = _final_call(x2, gat, h2, keep)
    logits = logits_pad[:, :M].reshape(1, S, M)
    return out.reshape(1, S, D), logits

# --- scband reference (transcript-rebuilt; emitter-appended) ---
"""Pipeline reference for scband-transformer-layer-31997506355694 (READ-ONLY COPY).

The authoritative reference and input builder live on the scoring server;
editing this copy changes nothing except your own understanding.
"""

import jax, jax.numpy as jnp
import numpy as np

D = 1024
HEAD_DIM = 64
NHEADS = D // HEAD_DIM
M = 16
MULT = 4
CAPF = 1.25
EPS = 1e-9
B, S = 1, 2048


def _ln(x, g, b):
    mean = jnp.mean(x, axis=-1, keepdims=True)
    var = jnp.var(x, axis=-1, keepdims=True, ddof=1)
    return (x - mean) / jnp.sqrt(var + EPS) * g + b


def _attn(x, Wq, bq, Wk, bk, Wv, bv, Wo, bo):
    b, s, d = x.shape
    Q = (x @ Wq.T + bq).reshape(b, s, NHEADS, HEAD_DIM).transpose(0, 2, 1, 3)
    K = (x @ Wk.T + bk).reshape(b, s, NHEADS, HEAD_DIM).transpose(0, 2, 1, 3)
    V = (x @ Wv.T + bv).reshape(b, s, NHEADS, HEAD_DIM).transpose(0, 2, 1, 3)
    logits = jnp.einsum('bnxd,bnyd->bnxy', Q, K) / jnp.sqrt(jnp.asarray(HEAD_DIM, x.dtype))
    cmask = jnp.triu(jnp.ones((s, s), dtype=bool), k=1)
    logits = jnp.where(cmask, -jnp.inf, logits)
    A = jax.nn.softmax(logits, axis=-1)
    pre = jnp.einsum('bnxy,bnyd->bnxd', A, V)
    pre = pre.transpose(0, 2, 1, 3).reshape(b, s, d)
    return pre @ Wo.T + bo


def _moe(x, rw1, rb1, rw2, rb2, mlp1, mlp2):
    b, s, d = x.shape
    Bt = b * s
    cap = int(Bt * CAPF // M)
    xf = x.reshape(-1, d)
    h = jax.nn.gelu(xf @ rw1.T + rb1, approximate=False)
    logits = (h @ rw2.T + rb2).reshape(b, s, M)
    idx = jnp.argmax(logits, axis=-1).reshape(-1)
    oh = jax.nn.one_hot(idx, M, dtype=jnp.int32)
    counts = jnp.cumsum(oh, axis=0)
    pos = counts[jnp.arange(Bt), idx] - 1
    keep = pos < cap
    safe = jnp.where(keep, idx * cap + pos, M * cap)
    buf = jnp.zeros((M * cap, d), x.dtype).at[safe].set(jnp.where(keep[:, None], xf, 0.0), mode='drop')
    ei = buf.reshape(M, cap, d)
    hm = jax.nn.gelu(jnp.einsum('mcd,mdf->mcf', ei, mlp1), approximate=False)
    eo = jnp.einsum('mcf,mfd->mcd', hm, mlp2).reshape(M * cap, d)
    gat = jnp.take(eo, safe, axis=0, mode='fill', fill_value=0.0)
    out = jnp.where(keep[:, None], gat, xf).reshape(b, s, d)
    return out, logits


def _layer(x, ln1_b, ln1_g, Wq, bq, Wk, bk, Wv, bv, Wo, bo, ln2_b, ln2_g, rw1, rb1, rw2, rb2, mlp1, mlp2):
    h1 = _ln(x, ln1_g, ln1_b)
    x = x + _attn(h1, Wq, bq, Wk, bk, Wv, bv, Wo, bo)
    h2 = _ln(x, ln2_g, ln2_b)
    mo, logits = _moe(h2, rw1, rb1, rw2, rb2, mlp1, mlp2)
    return x + mo, logits


def setup_inputs(seed: int = 0):
    key = jax.random.key(seed)
    ks = jax.random.split(key, 12)
    d, dff = D, D * MULT
    f32 = jnp.float32
    return {
        'x': jax.random.normal(ks[0], (B, S, d), f32),
        'ln1_b': jnp.zeros((d,), f32), 'ln1_g': jnp.ones((d,), f32),
        'Wq': jax.random.normal(ks[1], (d, d), f32) * 0.02, 'bq': jnp.zeros((d,), f32),
        'Wk': jax.random.normal(ks[2], (d, d), f32) * 0.02, 'bk': jnp.zeros((d,), f32),
        'Wv': jax.random.normal(ks[3], (d, d), f32) * 0.02, 'bv': jnp.zeros((d,), f32),
        'Wo': jax.random.normal(ks[4], (d, d), f32) * 0.02, 'bo': jnp.zeros((d,), f32),
        'ln2_b': jnp.zeros((d,), f32), 'ln2_g': jnp.ones((d,), f32),
        'rw1': jax.random.normal(ks[5], (dff, d), f32) * 0.02, 'rb1': jnp.zeros((dff,), f32),
        'rw2': jax.random.normal(ks[6], (M, dff), f32) * 0.02, 'rb2': jnp.zeros((M,), f32),
        'mlp1': jax.random.normal(ks[7], (M, d, dff), f32) / np.sqrt(d).astype(np.float32),
        'mlp2': jax.random.normal(ks[8], (M, dff, d), f32) / np.sqrt(dff).astype(np.float32),
    }


def reference(x, ln1_b, ln1_g, Wq, bq, Wk, bk, Wv, bv, Wo, bo, ln2_b, ln2_g, rw1, rb1, rw2, rb2, mlp1, mlp2):
    return _layer(x, ln1_b, ln1_g, Wq, bq, Wk, bk, Wv, bv, Wo, bo, ln2_b, ln2_g, rw1, rb1, rw2, rb2, mlp1, mlp2)

if __name__ == "__main__":
    import jax
    _d = setup_inputs()
    print(jax.jit(kernel)(*tuple(_d.values())))

</pallas_src>

<mosaic_0001>
#map = affine_map<(d0, d1) -> (0, 0)>
#map1 = affine_map<(d0, d1) -> (0)>
module attributes {stable_mosaic.version = 14 : i64} {
  func.func @dispatch(%arg0: i32, %arg1: i32, %arg2: memref<2048x1024xf32, #tpu.memory_space<hbm>>, %arg3: memref<2048xi32, #tpu.memory_space<hbm>>, %arg4: memref<2568x1024xf32, #tpu.memory_space<hbm>>, %arg5: memref<64xi32, #tpu.memory_space<vmem>>, %arg6: memref<64x1024xf32, #tpu.memory_space<vmem>>, %arg7: memref<!tpu.dma_semaphore, #tpu.memory_space<semaphore_mem>>, %arg8: memref<!tpu.dma_semaphore, #tpu.memory_space<semaphore_mem>>) attributes {dimension_semantics = [#tpu.dimension_semantics<core_parallel>, #tpu.dimension_semantics<subcore_parallel>], iteration_bounds = array<i64: 2, 16>, scalar_prefetch = 0 : i64, scratch_operands = 4 : i64, tpu.core_type = #tpu.core_type<sc_vector_subcore>, window_params = [{transform_indices = #map}, {transform_indices = #map1}, {transform_indices = #map}]} {
    %mul3A = arith.constant 2 : i32
    %mul3A_0 = arith.muli %arg1, %mul3A : i32
    %add3A = arith.addi %mul3A_0, %arg0 : i32
    %mul3A_1 = arith.constant 64 : i32
    %mul3A_2 = arith.muli %add3A, %mul3A_1 : i32
    "tpu.region"() ({
      %run_scoped3A = tpu.sem_alloc : memref<!tpu.dma_semaphore, #tpu.memory_space<semaphore_mem>>
      %dma_start3A_15 = tpu.memref_slice %arg3[%mul3A_2] : memref<2048xi32, #tpu.memory_space<hbm>> -> memref<64xi32, #tpu.memory_space<hbm>>
      %dma_start3A_16 = tpu.memref_slice %arg3[%mul3A_2] : memref<2048xi32, #tpu.memory_space<hbm>> -> memref<64xi32, #tpu.memory_space<hbm>>
      tpu.enqueue_dma source(%dma_start3A_16 : memref<64xi32, #tpu.memory_space<hbm>>) target(%arg5 : memref<64xi32, #tpu.memory_space<vmem>>) target_semaphore(%run_scoped3A : memref<!tpu.dma_semaphore, #tpu.memory_space<semaphore_mem>>)
      %dma_wait3A_17 = tpu.memref_slice %arg3[%mul3A_2] : memref<2048xi32, #tpu.memory_space<hbm>> -> memref<64xi32, #tpu.memory_space<hbm>>
      %dma_wait3A_18 = tpu.memref_slice %arg3[%mul3A_2] : memref<2048xi32, #tpu.memory_space<hbm>> -> memref<64xi32, #tpu.memory_space<hbm>>
      tpu.wait_dma2 semaphore(%run_scoped3A : memref<!tpu.dma_semaphore, #tpu.memory_space<semaphore_mem>>) src(%dma_wait3A_18 : memref<64xi32, #tpu.memory_space<hbm>>) dst(%arg5 : memref<64xi32, #tpu.memory_space<vmem>>)
      tpu.yield
    }) : () -> ()
    %dma_start3A = arith.constant 0 : i32
    %dma_start3A_3 = tpu.memref_slice %arg2[%mul3A_2, %dma_start3A] : memref<2048x1024xf32, #tpu.memory_space<hbm>> -> memref<64x1024xf32, #tpu.memory_space<hbm>>
    %dma_start3A_4 = arith.constant 0 : i32
    %dma_start3A_5 = tpu.memref_slice %arg2[%mul3A_2, %dma_start3A_4] : memref<2048x1024xf32, #tpu.memory_space<hbm>> -> memref<64x1024xf32, #tpu.memory_space<hbm>>
    tpu.enqueue_dma source(%dma_start3A_5 : memref<64x1024xf32, #tpu.memory_space<hbm>>) target(%arg6 : memref<64x1024xf32, #tpu.memory_space<vmem>>) target_semaphore(%arg7 : memref<!tpu.dma_semaphore, #tpu.memory_space<semaphore_mem>>)
    %dma_wait3A = arith.constant 0 : i32
    %dma_wait3A_6 = tpu.memref_slice %arg2[%mul3A_2, %dma_wait3A] : memref<2048x1024xf32, #tpu.memory_space<hbm>> -> memref<64x1024xf32, #tpu.memory_space<hbm>>
    %dma_wait3A_7 = arith.constant 0 : i32
    %dma_wait3A_8 = tpu.memref_slice %arg2[%mul3A_2, %dma_wait3A_7] : memref<2048x1024xf32, #tpu.memory_space<hbm>> -> memref<64x1024xf32, #tpu.memory_space<hbm>>
    tpu.wait_dma2 semaphore(%arg7 : memref<!tpu.dma_semaphore, #tpu.memory_space<semaphore_mem>>) src(%dma_wait3A_8 : memref<64x1024xf32, #tpu.memory_space<hbm>>) dst(%arg6 : memref<64x1024xf32, #tpu.memory_space<vmem>>)
    %dma_start3A_9 = arith.constant 0 : i32
    %dma_start3A_10 = arith.constant 0 : i32
    %dma_start3A_11 = tpu.memref_slice %arg4[%dma_start3A_9, %dma_start3A_10] : memref<2568x1024xf32, #tpu.memory_space<hbm>> -> memref<2568x1024xf32, #tpu.memory_space<hbm>>
    tpu.enqueue_indirect_dma source(%arg6 : memref<64x1024xf32, #tpu.memory_space<vmem>>) target(%dma_start3A_11 : memref<2568x1024xf32, #tpu.memory_space<hbm>>) offsets(%arg5 : memref<64xi32, #tpu.memory_space<vmem>>) semaphore(%arg8 : memref<!tpu.dma_semaphore, #tpu.memory_space<semaphore_mem>>)
    %dma_wait3A_12 = arith.constant 0 : i32
    %dma_wait3A_13 = arith.constant 0 : i32
    %dma_wait3A_14 = tpu.memref_slice %arg4[%dma_wait3A_12, %dma_wait3A_13] : memref<2568x1024xf32, #tpu.memory_space<hbm>> -> memref<2568x1024xf32, #tpu.memory_space<hbm>>
    tpu.wait_indirect_dma semaphore(%arg8 : memref<!tpu.dma_semaphore, #tpu.memory_space<semaphore_mem>>) src(%arg6 : memref<64x1024xf32, #tpu.memory_space<vmem>>) dst(%dma_wait3A_14 : memref<2568x1024xf32, #tpu.memory_space<hbm>>)
    return
  }
}

#map = affine_map<(d0, d1) -> (0, 0)>
#map1 = affine_map<(d0, d1) -> (0)>
module attributes {stable_mosaic.version = 14 : i64} {
  func.func @combine(%arg0: i32, %arg1: i32, %arg2: memref<2560x1024xf32, #tpu.memory_space<hbm>>, %arg3: memref<2048xi32, #tpu.memory_space<hbm>>, %arg4: memref<2048x1024xf32, #tpu.memory_space<hbm>>, %arg5: memref<64xi32, #tpu.memory_space<vmem>>, %arg6: memref<64x1024xf32, #tpu.memory_space<vmem>>, %arg7: memref<!tpu.dma_semaphore, #tpu.memory_space<semaphore_mem>>) attributes {dimension_semantics = [#tpu.dimension_semantics<core_parallel>, #tpu.dimension_semantics<subcore_parallel>], iteration_bounds = array<i64: 2, 16>, scalar_prefetch = 0 : i64, scratch_operands = 3 : i64, tpu.core_type = #tpu.core_type<sc_vector_subcore>, window_params = [{transform_indices = #map}, {transform_indices = #map1}, {transform_indices = #map}]} {
    %mul3A = arith.constant 2 : i32
    %mul3A_0 = arith.muli %arg1, %mul3A : i32
    %add3A = arith.addi %mul3A_0, %arg0 : i32
    %mul3A_1 = arith.constant 64 : i32
    %mul3A_2 = arith.muli %add3A, %mul3A_1 : i32
    "tpu.region"() ({
      %run_scoped3A = tpu.sem_alloc : memref<!tpu.dma_semaphore, #tpu.memory_space<semaphore_mem>>
      %dma_start3A_7 = tpu.memref_slice %arg3[%mul3A_2] : memref<2048xi32, #tpu.memory_space<hbm>> -> memref<64xi32, #tpu.memory_space<hbm>>
      %dma_start3A_8 = tpu.memref_slice %arg3[%mul3A_2] : memref<2048xi32, #tpu.memory_space<hbm>> -> memref<64xi32, #tpu.memory_space<hbm>>
      tpu.enqueue_dma source(%dma_start3A_8 : memref<64xi32, #tpu.memory_space<hbm>>) target(%arg5 : memref<64xi32, #tpu.memory_space<vmem>>) target_semaphore(%run_scoped3A : memref<!tpu.dma_semaphore, #tpu.memory_space<semaphore_mem>>)
      %dma_wait3A_9 = tpu.memref_slice %arg3[%mul3A_2] : memref<2048xi32, #tpu.memory_space<hbm>> -> memref<64xi32, #tpu.memory_space<hbm>>
      %dma_wait3A_10 = tpu.memref_slice %arg3[%mul3A_2] : memref<2048xi32, #tpu.memory_space<hbm>> -> memref<64xi32, #tpu.memory_space<hbm>>
      tpu.wait_dma2 semaphore(%run_scoped3A : memref<!tpu.dma_semaphore, #tpu.memory_space<semaphore_mem>>) src(%dma_wait3A_10 : memref<64xi32, #tpu.memory_space<hbm>>) dst(%arg5 : memref<64xi32, #tpu.memory_space<vmem>>)
      tpu.yield
    }) : () -> ()
    %dma_start3A = arith.constant 0 : i32
    %dma_start3A_3 = arith.constant 0 : i32
    %dma_start3A_4 = tpu.memref_slice %arg2[%dma_start3A, %dma_start3A_3] : memref<2560x1024xf32, #tpu.memory_space<hbm>> -> memref<2560x1024xf32, #tpu.memory_space<hbm>>
    tpu.enqueue_indirect_dma source(%dma_start3A_4 : memref<2560x1024xf32, #tpu.memory_space<hbm>>) target(%arg6 : memref<64x1024xf32, #tpu.memory_space<vmem>>) offsets(%arg5 : memref<64xi32, #tpu.memory_space<vmem>>) semaphore(%arg7 : memref<!tpu.dma_semaphore, #tpu.memory_space<semaphore_mem>>)
    %dma_wait3A = arith.constant 0 : i32
    %dma_wait3A_5 = arith.constant 0 : i32
    %dma_wait3A_6 = tpu.memref_slice %arg2[%dma_wait3A, %dma_wait3A_5] : memref<2560x1024xf32, #tpu.memory_space<hbm>> -> memref<2560x1024xf32, #tpu.memory_space<hbm>>
    tpu.wait_indirect_dma semaphore(%arg7 : memref<!tpu.dma_semaphore, #tpu.memory_space<semaphore_mem>>) src(%dma_wait3A_6 : memref<2560x1024xf32, #tpu.memory_space<hbm>>) dst(%arg6 : memref<64x1024xf32, #tpu.memory_space<vmem>>)
    "tpu.region"() ({
      %run_scoped3A = tpu.sem_alloc : memref<!tpu.dma_semaphore, #tpu.memory_space<semaphore_mem>>
      %dma_start3A_7 = arith.constant 0 : i32
      %dma_start3A_8 = tpu.memref_slice %arg4[%mul3A_2, %dma_start3A_7] : memref<2048x1024xf32, #tpu.memory_space<hbm>> -> memref<64x1024xf32, #tpu.memory_space<hbm>>
      %dma_start3A_9 = arith.constant 0 : i32
      %dma_start3A_10 = tpu.memref_slice %arg4[%mul3A_2, %dma_start3A_9] : memref<2048x1024xf32, #tpu.memory_space<hbm>> -> memref<64x1024xf32, #tpu.memory_space<hbm>>
      tpu.enqueue_dma source(%arg6 : memref<64x1024xf32, #tpu.memory_space<vmem>>) target(%dma_start3A_10 : memref<64x1024xf32, #tpu.memory_space<hbm>>) target_semaphore(%run_scoped3A : memref<!tpu.dma_semaphore, #tpu.memory_space<semaphore_mem>>)
      %dma_wait3A_11 = arith.constant 0 : i32
      %dma_wait3A_12 = tpu.memref_slice %arg4[%mul3A_2, %dma_wait3A_11] : memref<2048x1024xf32, #tpu.memory_space<hbm>> -> memref<64x1024xf32, #tpu.memory_space<hbm>>
      %dma_wait3A_13 = arith.constant 0 : i32
      %dma_wait3A_14 = tpu.memref_slice %arg4[%mul3A_2, %dma_wait3A_13] : memref<2048x1024xf32, #tpu.memory_space<hbm>> -> memref<64x1024xf32, #tpu.memory_space<hbm>>
      tpu.wait_dma2 semaphore(%run_scoped3A : memref<!tpu.dma_semaphore, #tpu.memory_space<semaphore_mem>>) src(%arg6 : memref<64x1024xf32, #tpu.memory_space<vmem>>) dst(%dma_wait3A_14 : memref<64x1024xf32, #tpu.memory_space<hbm>>)
      tpu.yield
    }) : () -> ()
    return
  }
}

module attributes {stable_mosaic.version = 14 : i64} {
  func.func @_qkv_body(%arg0: i32, %arg1: memref<256x1024xf32, #tpu.memory_space<vmem>>, %arg2: memref<1024x3072xf32, #tpu.memory_space<vmem>>, %arg3: memref<1x3072xf32, #tpu.memory_space<vmem>>, %arg4: memref<1x1024xf32, #tpu.memory_space<vmem>>, %arg5: memref<1x1024xf32, #tpu.memory_space<vmem>>, %arg6: memref<256x3072xf32, #tpu.memory_space<vmem>>) attributes {dimension_semantics = [#tpu.dimension_semantics<arbitrary>], iteration_bounds = array<i64: 8>, scalar_prefetch = 0 : i64, scratch_operands = 0 : i64, tpu.core_type = #tpu.core_type<tc>, window_params = [{transform_indices = @transform_0, window_bounds = array<i64: 256, 1024>}, {pipeline_mode = #tpu.pipeline_mode<synchronous>, transform_indices = @transform_1, window_bounds = array<i64: 1024, 3072>}, {pipeline_mode = #tpu.pipeline_mode<synchronous>, transform_indices = @transform_2, window_bounds = array<i64: 1, 3072>}, {pipeline_mode = #tpu.pipeline_mode<synchronous>, transform_indices = @transform_3, window_bounds = array<i64: 1, 1024>}, {pipeline_mode = #tpu.pipeline_mode<synchronous>, transform_indices = @transform_4, window_bounds = array<i64: 1, 1024>}, {transform_indices = @transform_5, window_bounds = array<i64: 256, 3072>}]} {
    %get3A = arith.constant 0 : index
    %get3A_0 = arith.constant 0 : index
    %get3A_1 = vector.load %arg1[%get3A, %get3A_0] : memref<256x1024xf32, #tpu.memory_space<vmem>>, vector<256x1024xf32>
    %get3A_2 = arith.constant 0 : index
    %get3A_3 = arith.constant 0 : index
    %get3A_4 = vector.load %arg4[%get3A_2, %get3A_3] : memref<1x1024xf32, #tpu.memory_space<vmem>>, vector<1x1024xf32>
    %get3A_5 = arith.constant 0 : index
    %get3A_6 = arith.constant 0 : index
    %get3A_7 = vector.load %arg5[%get3A_5, %get3A_6] : memref<1x1024xf32, #tpu.memory_space<vmem>>, vector<1x1024xf32>
    %reduce_sum3A = arith.constant dense<0.000000e+00> : vector<256xf32>
    %reduce_sum3A_8 = vector.multi_reduction <add>, %get3A_1, %reduce_sum3A [1] : vector<256x1024xf32> to vector<256xf32>
    %broadcast_in_dim3A = vector.shape_cast %reduce_sum3A_8 : vector<256xf32> to vector<256x1xf32>
    %div3A = arith.constant 1.024000e+03 : f32
    %div3A_9 = vector.broadcast %div3A : f32 to vector<256x1xf32>
    %div3A_10 = arith.divf %broadcast_in_dim3A, %div3A_9 : vector<256x1xf32>
    %sub3A = vector.broadcast %div3A_10 : vector<256x1xf32> to vector<256x1024xf32>
    %sub3A_11 = arith.subf %get3A_1, %sub3A : vector<256x1024xf32>
    %mul3A = arith.mulf %sub3A_11, %sub3A_11 : vector<256x1024xf32>
    %reduce_sum3A_12 = arith.constant dense<0.000000e+00> : vector<256xf32>
    %reduce_sum3A_13 = vector.multi_reduction <add>, %mul3A, %reduce_sum3A_12 [1] : vector<256x1024xf32> to vector<256xf32>
    %broadcast_in_dim3A_14 = vector.shape_cast %reduce_sum3A_13 : vector<256xf32> to vector<256x1xf32>
    %div3A_15 = arith.constant 1.023000e+03 : f32
    %div3A_16 = vector.broadcast %div3A_15 : f32 to vector<256x1xf32>
    %div3A_17 = arith.divf %broadcast_in_dim3A_14, %div3A_16 : vector<256x1xf32>
    %add3A = arith.constant 9.99999971E-10 : f32
    %add3A_18 = vector.broadcast %add3A : f32 to vector<256x1xf32>
    %add3A_19 = arith.addf %div3A_17, %add3A_18 : vector<256x1xf32>
    %sqrt3A = math.sqrt %add3A_19 : vector<256x1xf32>
    %div3A_20 = vector.broadcast %sqrt3A : vector<256x1xf32> to vector<256x1024xf32>
    %div3A_21 = arith.divf %sub3A_11, %div3A_20 : vector<256x1024xf32>
    %mul3A_22 = vector.broadcast %get3A_4 : vector<1x1024xf32> to vector<256x1024xf32>
    %mul3A_23 = arith.mulf %div3A_21, %mul3A_22 : vector<256x1024xf32>
    %add3A_24 = vector.broadcast %get3A_7 : vector<1x1024xf32> to vector<256x1024xf32>
    %add3A_25 = arith.addf %mul3A_23, %add3A_24 : vector<256x1024xf32>
    %get3A_26 = arith.constant 0 : index
    %get3A_27 = arith.constant 0 : index
    %get3A_28 = vector.load %arg2[%get3A_26, %get3A_27] : memref<1024x3072xf32, #tpu.memory_space<vmem>>, vector<1024x3072xf32>
    %dot_general3A = arith.constant dense<0.000000e+00> : vector<256x3072xf32>
    %dot_general3A_29 = tpu.matmul %add3A_25, %get3A_28, %dot_general3A {dimension_numbers = #tpu.dot_dimension_numbers<[1], [0], [0], [1], [0, 0, 1, 1], [], []>, transpose_lhs_hint = false} : vector<256x1024xf32>, vector<1024x3072xf32>, vector<256x3072xf32> -> vector<256x3072xf32>
    %get3A_30 = arith.constant 0 : index
    %get3A_31 = arith.constant 0 : index
    %get3A_32 = vector.load %arg3[%get3A_30, %get3A_31] : memref<1x3072xf32, #tpu.memory_space<vmem>>, vector<1x3072xf32>
    %add3A_33 = vector.broadcast %get3A_32 : vector<1x3072xf32> to vector<256x3072xf32>
    %add3A_34 = arith.addf %dot_general3A_29, %add3A_33 : vector<256x3072xf32>
    %swap3A = arith.constant 0 : index
    %swap3A_35 = arith.constant 0 : index
    %swap3A_36 = vector.load %arg6[%swap3A, %swap3A_35] : memref<256x3072xf32, #tpu.memory_space<vmem>>, vector<256x3072xf32>
    tpu.vector_store %arg6[%swap3A, %swap3A_35], %add3A_34 {strides = array<i32>} : memref<256x3072xf32, #tpu.memory_space<vmem>>, vector<256x3072xf32>,
    return
  }
  func.func @transform_0(%arg0: i32) -> (i32, i32) {
    %c0_i32 = arith.constant 0 : i32
    %c0_i32_0 = arith.constant 0 : i32
    return %arg0, %c0_i32 : i32, i32
  }
  func.func @transform_1(%arg0: i32) -> (i32, i32) {
    %c0_i32 = arith.constant 0 : i32
    %c0_i32_0 = arith.constant 0 : i32
    %c0_i32_1 = arith.constant 0 : i32
    return %c0_i32, %c0_i32_0 : i32, i32
  }
  func.func @transform_2(%arg0: i32) -> (i32, i32) {
    %c0_i32 = arith.constant 0 : i32
    %c0_i32_0 = arith.constant 0 : i32
    %c0_i32_1 = arith.constant 0 : i32
    return %c0_i32, %c0_i32_0 : i32, i32
  }
  func.func @transform_3(%arg0: i32) -> (i32, i32) {
    %c0_i32 = arith.constant 0 : i32
    %c0_i32_0 = arith.constant 0 : i32
    %c0_i32_1 = arith.constant 0 : i32
    return %c0_i32, %c0_i32_0 : i32, i32
  }
  func.func @transform_4(%arg0: i32) -> (i32, i32) {
    %c0_i32 = arith.constant 0 : i32
    %c0_i32_0 = arith.constant 0 : i32
    %c0_i32_1 = arith.constant 0 : i32
    return %c0_i32, %c0_i32_0 : i32, i32
  }
  func.func @transform_5(%arg0: i32) -> (i32, i32) {
    %c0_i32 = arith.constant 0 : i32
    %c0_i32_0 = arith.constant 0 : i32
    return %arg0, %c0_i32 : i32, i32
  }
}

module attributes {stable_mosaic.version = 14 : i64} {
  func.func @_attn_body(%arg0: i32, %arg1: i32, %arg2: memref<1x256x64xf32, #tpu.memory_space<vmem>>, %arg3: memref<1x64x2048xf32, #tpu.memory_space<vmem>>, %arg4: memref<1x2048x64xf32, #tpu.memory_space<vmem>>, %arg5: memref<1x256x64xf32, #tpu.memory_space<vmem>>, %arg6: memref<256x2048xf32, #tpu.memory_space<vmem>>) attributes {dimension_semantics = [#tpu.dimension_semantics<arbitrary>, #tpu.dimension_semantics<arbitrary>], iteration_bounds = array<i64: 16, 8>, scalar_prefetch = 0 : i64, scratch_operands = 1 : i64, tpu.core_type = #tpu.core_type<tc>, window_params = [{transform_indices = @transform_0, window_bounds = array<i64: 1, 256, 64>}, {transform_indices = @transform_1, window_bounds = array<i64: 1, 64, 2048>}, {transform_indices = @transform_2, window_bounds = array<i64: 1, 2048, 64>}, {transform_indices = @transform_3, window_bounds = array<i64: 1, 256, 64>}]} {
    %get3A = arith.constant 0 : index
    %get3A_0 = arith.constant 0 : index
    %get3A_1 = arith.constant 0 : index
    %get3A_2 = vector.load %arg2[%get3A, %get3A_0, %get3A_1] : memref<1x256x64xf32, #tpu.memory_space<vmem>>, vector<1x256x64xf32>
    %get3A_3 = vector.shape_cast %get3A_2 : vector<1x256x64xf32> to vector<256x64xf32>
    %mul3A = arith.constant 1.250000e-01 : f32
    %mul3A_4 = vector.broadcast %mul3A : f32 to vector<256x64xf32>
    %mul3A_5 = arith.mulf %get3A_3, %mul3A_4 : vector<256x64xf32>
    %iota3A = tpu.iota {dimensions = array<i32: 0>} : vector<256x256xi32>
    %mul3A_6 = arith.constant 256 : i32
    %mul3A_7 = arith.muli %arg1, %mul3A_6 : i32
    %add3A = vector.broadcast %mul3A_7 : i32 to vector<256x256xi32>
    %add3A_8 = arith.addi %iota3A, %add3A : vector<256x256xi32>
    %add3A_9 = arith.constant 1 : i32
    %add3A_10 = arith.addi %arg1, %add3A_9 : i32
    %broadcast_in_dim3A = arith.constant -1.000000e+30 : f32
    %broadcast_in_dim3A_11 = vector.broadcast %broadcast_in_dim3A : f32 to vector<256x1xf32>
    %while3A = arith.constant 0 : i32
    %while3A_12 = arith.subi %add3A_10, %while3A : i32
    %while3A_13 = arith.addi %while3A, %while3A_12 : i32
    %while3A_14 = arith.constant 1 : i32
    %while3A_15 = arith.divsi %while3A_12, %while3A_14 : i32
    %while3A_16 = arith.muli %while3A_15, %while3A_14 : i32
    %while3A_17 = arith.addi %while3A, %while3A_16 : i32
    %while3A_18 = arith.constant 1 : i32
    %while3A_19 = scf.for %while3A_57 = %while3A to %while3A_17 step %while3A_18 iter_args(%while3A_58 = %broadcast_in_dim3A_11) -> (vector<256x1xf32>)  : i32 {
      %mul3A_59 = arith.constant 256 : i32
      %mul3A_60 = arith.muli %while3A_57, %mul3A_59 : i32
      %multiple_of3A = tpu.assume_multiple %mul3A_60, 256 : i32
      %get3A_61 = arith.constant 0 : index
      %get3A_62 = arith.constant 0 : index
      %get3A_63 = arith.index_cast %multiple_of3A : i32 to index
      %get3A_64 = vector.load %arg3[%get3A_61, %get3A_62, %get3A_63] : memref<1x64x2048xf32, #tpu.memory_space<vmem>>, vector<1x64x256xf32>
      %get3A_65 = vector.shape_cast %get3A_64 : vector<1x64x256xf32> to vector<64x256xf32>
      %dot_general3A = arith.constant dense<0.000000e+00> : vector<256x256xf32>
      %dot_general3A_66 = tpu.matmul %mul3A_5, %get3A_65, %dot_general3A {dimension_numbers = #tpu.dot_dimension_numbers<[1], [0], [0], [1], [0, 0, 1, 1], [], []>, transpose_lhs_hint = false} : vector<256x64xf32>, vector<64x256xf32>, vector<256x256xf32> -> vector<256x256xf32>
      %iota3A_67 = tpu.iota {dimensions = array<i32: 1>} : vector<256x256xi32>
      %mul3A_68 = arith.constant 256 : i32
      %mul3A_69 = arith.muli %while3A_57, %mul3A_68 : i32
      %add3A_70 = vector.broadcast %mul3A_69 : i32 to vector<256x256xi32>
      %add3A_71 = arith.addi %iota3A_67, %add3A_70 : vector<256x256xi32>
      %gt3A = arith.cmpi sgt, %add3A_71, %add3A_8 : vector<256x256xi32>
      %jit3A = arith.constant -1.000000e+30 : f32
      %broadcast_in_dim3A_72 = vector.broadcast %jit3A : f32 to vector<256x256xf32>
      %select_n3A = arith.select %gt3A, %broadcast_in_dim3A_72, %dot_general3A_66 : vector<256x256xi1>, vector<256x256xf32>
      %swap3A_73 = arith.constant 0 : index
      %swap3A_74 = arith.index_cast %multiple_of3A : i32 to index
      %swap3A_75 = vector.load %arg6[%swap3A_73, %swap3A_74] : memref<256x2048xf32, #tpu.memory_space<vmem>>, vector<256x256xf32>
      tpu.vector_store %arg6[%swap3A_73, %swap3A_74], %select_n3A {strides = array<i32>} : memref<256x2048xf32, #tpu.memory_space<vmem>>, vector<256x256xf32>,
      %reduce_max3A = arith.constant dense<0xFF800000> : vector<256xf32>
      %reduce_max3A_76 = vector.multi_reduction <maximumf>, %select_n3A, %reduce_max3A [1] : vector<256x256xf32> to vector<256xf32>
      %broadcast_in_dim3A_77 = vector.shape_cast %reduce_max3A_76 : vector<256xf32> to vector<256x1xf32>
      %max3A = arith.maximumf %while3A_58, %broadcast_in_dim3A_77 : vector<256x1xf32>
      scf.yield %max3A : vector<256x1xf32>
    }
    %while3A_20 = arith.constant 1 : i32
    %while3A_21 = scf.for %while3A_57 = %while3A_17 to %while3A_13 step %while3A_20 iter_args(%while3A_58 = %while3A_19) -> (vector<256x1xf32>)  : i32 {
      %mul3A_59 = arith.constant 256 : i32
      %mul3A_60 = arith.muli %while3A_57, %mul3A_59 : i32
      %multiple_of3A = tpu.assume_multiple %mul3A_60, 256 : i32
      %get3A_61 = arith.constant 0 : index
      %get3A_62 = arith.constant 0 : index
      %get3A_63 = arith.index_cast %multiple_of3A : i32 to index
      %get3A_64 = vector.load %arg3[%get3A_61, %get3A_62, %get3A_63] : memref<1x64x2048xf32, #tpu.memory_space<vmem>>, vector<1x64x256xf32>
      %get3A_65 = vector.shape_cast %get3A_64 : vector<1x64x256xf32> to vector<64x256xf32>
      %dot_general3A = arith.constant dense<0.000000e+00> : vector<256x256xf32>
      %dot_general3A_66 = tpu.matmul %mul3A_5, %get3A_65, %dot_general3A {dimension_numbers = #tpu.dot_dimension_numbers<[1], [0], [0], [1], [0, 0, 1, 1], [], []>, transpose_lhs_hint = false} : vector<256x64xf32>, vector<64x256xf32>, vector<256x256xf32> -> vector<256x256xf32>
      %iota3A_67 = tpu.iota {dimensions = array<i32: 1>} : vector<256x256xi32>
      %mul3A_68 = arith.constant 256 : i32
      %mul3A_69 = arith.muli %while3A_57, %mul3A_68 : i32
      %add3A_70 = vector.broadcast %mul3A_69 : i32 to vector<256x256xi32>
      %add3A_71 = arith.addi %iota3A_67, %add3A_70 : vector<256x256xi32>
      %gt3A = arith.cmpi sgt, %add3A_71, %add3A_8 : vector<256x256xi32>
      %jit3A = arith.constant -1.000000e+30 : f32
      %broadcast_in_dim3A_72 = vector.broadcast %jit3A : f32 to vector<256x256xf32>
      %select_n3A = arith.select %gt3A, %broadcast_in_dim3A_72, %dot_general3A_66 : vector<256x256xi1>, vector<256x256xf32>
      %swap3A_73 = arith.constant 0 : index
      %swap3A_74 = arith.index_cast %multiple_of3A : i32 to index
      %swap3A_75 = vector.load %arg6[%swap3A_73, %swap3A_74] : memref<256x2048xf32, #tpu.memory_space<vmem>>, vector<256x256xf32>
      tpu.vector_store %arg6[%swap3A_73, %swap3A_74], %select_n3A {strides = array<i32>} : memref<256x2048xf32, #tpu.memory_space<vmem>>, vector<256x256xf32>,
      %reduce_max3A = arith.constant dense<0xFF800000> : vector<256xf32>
      %reduce_max3A_76 = vector.multi_reduction <maximumf>, %select_n3A, %reduce_max3A [1] : vector<256x256xf32> to vector<256xf32>
      %broadcast_in_dim3A_77 = vector.shape_cast %reduce_max3A_76 : vector<256xf32> to vector<256x1xf32>
      %max3A = arith.maximumf %while3A_58, %broadcast_in_dim3A_77 : vector<256x1xf32>
      scf.yield %max3A : vector<256x1xf32>
    }
    %add3A_22 = arith.constant 1 : i32
    %add3A_23 = arith.addi %arg1, %add3A_22 : i32
    %broadcast_in_dim3A_24 = arith.constant 0.000000e+00 : f32
    %broadcast_in_dim3A_25 = vector.broadcast %broadcast_in_dim3A_24 : f32 to vector<256x1xf32>
    %while3A_26 = arith.constant 0 : i32
    %while3A_27 = arith.subi %add3A_23, %while3A_26 : i32
    %while3A_28 = arith.addi %while3A_26, %while3A_27 : i32
    %while3A_29 = arith.constant 1 : i32
    %while3A_30 = arith.divsi %while3A_27, %while3A_29 : i32
    %while3A_31 = arith.muli %while3A_30, %while3A_29 : i32
    %while3A_32 = arith.addi %while3A_26, %while3A_31 : i32
    %while3A_33 = arith.constant 1 : i32
    %while3A_34 = scf.for %while3A_57 = %while3A_26 to %while3A_32 step %while3A_33 iter_args(%while3A_58 = %broadcast_in_dim3A_25) -> (vector<256x1xf32>)  : i32 {
      %mul3A_59 = arith.constant 256 : i32
      %mul3A_60 = arith.muli %while3A_57, %mul3A_59 : i32
      %multiple_of3A = tpu.assume_multiple %mul3A_60, 256 : i32
      %get3A_61 = arith.constant 0 : index
      %get3A_62 = arith.index_cast %multiple_of3A : i32 to index
      %get3A_63 = vector.load %arg6[%get3A_61, %get3A_62] : memref<256x2048xf32, #tpu.memory_space<vmem>>, vector<256x256xf32>
      %sub3A = vector.broadcast %while3A_21 : vector<256x1xf32> to vector<256x256xf32>
      %sub3A_64 = arith.subf %get3A_63, %sub3A : vector<256x256xf32>
      %exp3A = math.exp %sub3A_64 : vector<256x256xf32>
      %swap3A_65 = arith.constant 0 : index
      %swap3A_66 = arith.index_cast %multiple_of3A : i32 to index
      %swap3A_67 = vector.load %arg6[%swap3A_65, %swap3A_66] : memref<256x2048xf32, #tpu.memory_space<vmem>>, vector<256x256xf32>
      tpu.vector_store %arg6[%swap3A_65, %swap3A_66], %exp3A {strides = array<i32>} : memref<256x2048xf32, #tpu.memory_space<vmem>>, vector<256x256xf32>,
      %reduce_sum3A = arith.constant dense<0.000000e+00> : vector<256xf32>
      %reduce_sum3A_68 = vector.multi_reduction <add>, %exp3A, %reduce_sum3A [1] : vector<256x256xf32> to vector<256xf32>
      %broadcast_in_dim3A_69 = vector.shape_cast %reduce_sum3A_68 : vector<256xf32> to vector<256x1xf32>
      %add3A_70 = arith.addf %while3A_58, %broadcast_in_dim3A_69 : vector<256x1xf32>
      scf.yield %add3A_70 : vector<256x1xf32>
    }
    %while3A_35 = arith.constant 1 : i32
    %while3A_36 = scf.for %while3A_57 = %while3A_32 to %while3A_28 step %while3A_35 iter_args(%while3A_58 = %while3A_34) -> (vector<256x1xf32>)  : i32 {
      %mul3A_59 = arith.constant 256 : i32
      %mul3A_60 = arith.muli %while3A_57, %mul3A_59 : i32
      %multiple_of3A = tpu.assume_multiple %mul3A_60, 256 : i32
      %get3A_61 = arith.constant 0 : index
      %get3A_62 = arith.index_cast %multiple_of3A : i32 to index
      %get3A_63 = vector.load %arg6[%get3A_61, %get3A_62] : memref<256x2048xf32, #tpu.memory_space<vmem>>, vector<256x256xf32>
      %sub3A = vector.broadcast %while3A_21 : vector<256x1xf32> to vector<256x256xf32>
      %sub3A_64 = arith.subf %get3A_63, %sub3A : vector<256x256xf32>
      %exp3A = math.exp %sub3A_64 : vector<256x256xf32>
      %swap3A_65 = arith.constant 0 : index
      %swap3A_66 = arith.index_cast %multiple_of3A : i32 to index
      %swap3A_67 = vector.load %arg6[%swap3A_65, %swap3A_66] : memref<256x2048xf32, #tpu.memory_space<vmem>>, vector<256x256xf32>
      tpu.vector_store %arg6[%swap3A_65, %swap3A_66], %exp3A {strides = array<i32>} : memref<256x2048xf32, #tpu.memory_space<vmem>>, vector<256x256xf32>,
      %reduce_sum3A = arith.constant dense<0.000000e+00> : vector<256xf32>
      %reduce_sum3A_68 = vector.multi_reduction <add>, %exp3A, %reduce_sum3A [1] : vector<256x256xf32> to vector<256xf32>
      %broadcast_in_dim3A_69 = vector.shape_cast %reduce_sum3A_68 : vector<256xf32> to vector<256x1xf32>
      %add3A_70 = arith.addf %while3A_58, %broadcast_in_dim3A_69 : vector<256x1xf32>
      scf.yield %add3A_70 : vector<256x1xf32>
    }
    %add3A_37 = arith.constant 1 : i32
    %add3A_38 = arith.addi %arg1, %add3A_37 : i32
    %broadcast_in_dim3A_39 = arith.constant 0.000000e+00 : f32
    %broadcast_in_dim3A_40 = vector.broadcast %broadcast_in_dim3A_39 : f32 to vector<256x64xf32>
    %while3A_41 = arith.constant 0 : i32
    %while3A_42 = arith.subi %add3A_38, %while3A_41 : i32
    %while3A_43 = arith.addi %while3A_41, %while3A_42 : i32
    %while3A_44 = arith.constant 1 : i32
    %while3A_45 = arith.divsi %while3A_42, %while3A_44 : i32
    %while3A_46 = arith.muli %while3A_45, %while3A_44 : i32
    %while3A_47 = arith.addi %while3A_41, %while3A_46 : i32
    %while3A_48 = arith.constant 1 : i32
    %while3A_49 = scf.for %while3A_57 = %while3A_41 to %while3A_47 step %while3A_48 iter_args(%while3A_58 = %broadcast_in_dim3A_40) -> (vector<256x64xf32>)  : i32 {
      %mul3A_59 = arith.constant 256 : i32
      %mul3A_60 = arith.muli %while3A_57, %mul3A_59 : i32
      %multiple_of3A = tpu.assume_multiple %mul3A_60, 256 : i32
      %get3A_61 = arith.constant 0 : index
      %get3A_62 = arith.index_cast %multiple_of3A : i32 to index
      %get3A_63 = vector.load %arg6[%get3A_61, %get3A_62] : memref<256x2048xf32, #tpu.memory_space<vmem>>, vector<256x256xf32>
      %div3A = vector.broadcast %while3A_36 : vector<256x1xf32> to vector<256x256xf32>
      %div3A_64 = arith.divf %get3A_63, %div3A : vector<256x256xf32>
      %get3A_65 = arith.constant 0 : index
      %get3A_66 = arith.index_cast %multiple_of3A : i32 to index
      %get3A_67 = arith.constant 0 : index
      %get3A_68 = vector.load %arg4[%get3A_65, %get3A_66, %get3A_67] : memref<1x2048x64xf32, #tpu.memory_space<vmem>>, vector<1x256x64xf32>
      %get3A_69 = vector.shape_cast %get3A_68 : vector<1x256x64xf32> to vector<256x64xf32>
      %dot_general3A = arith.constant dense<0.000000e+00> : vector<256x64xf32>
      %dot_general3A_70 = tpu.matmul %div3A_64, %get3A_69, %dot_general3A {dimension_numbers = #tpu.dot_dimension_numbers<[1], [0], [0], [1], [0, 0, 1, 1], [], []>, transpose_lhs_hint = false} : vector<256x256xf32>, vector<256x64xf32>, vector<256x64xf32> -> vector<256x64xf32>
      %add3A_71 = arith.addf %while3A_58, %dot_general3A_70 : vector<256x64xf32>
      scf.yield %add3A_71 : vector<256x64xf32>
    }
    %while3A_50 = arith.constant 1 : i32
    %while3A_51 = scf.for %while3A_57 = %while3A_47 to %while3A_43 step %while3A_50 iter_args(%while3A_58 = %while3A_49) -> (vector<256x64xf32>)  : i32 {
      %mul3A_59 = arith.constant 256 : i32
      %mul3A_60 = arith.muli %while3A_57, %mul3A_59 : i32
      %multiple_of3A = tpu.assume_multiple %mul3A_60, 256 : i32
      %get3A_61 = arith.constant 0 : index
      %get3A_62 = arith.index_cast %multiple_of3A : i32 to index
      %get3A_63 = vector.load %arg6[%get3A_61, %get3A_62] : memref<256x2048xf32, #tpu.memory_space<vmem>>, vector<256x256xf32>
      %div3A = vector.broadcast %while3A_36 : vector<256x1xf32> to vector<256x256xf32>
      %div3A_64 = arith.divf %get3A_63, %div3A : vector<256x256xf32>
      %get3A_65 = arith.constant 0 : index
      %get3A_66 = arith.index_cast %multiple_of3A : i32 to index
      %get3A_67 = arith.constant 0 : index
      %get3A_68 = vector.load %arg4[%get3A_65, %get3A_66, %get3A_67] : memref<1x2048x64xf32, #tpu.memory_space<vmem>>, vector<1x256x64xf32>
      %get3A_69 = vector.shape_cast %get3A_68 : vector<1x256x64xf32> to vector<256x64xf32>
      %dot_general3A = arith.constant dense<0.000000e+00> : vector<256x64xf32>
      %dot_general3A_70 = tpu.matmul %div3A_64, %get3A_69, %dot_general3A {dimension_numbers = #tpu.dot_dimension_numbers<[1], [0], [0], [1], [0, 0, 1, 1], [], []>, transpose_lhs_hint = false} : vector<256x256xf32>, vector<256x64xf32>, vector<256x64xf32> -> vector<256x64xf32>
      %add3A_71 = arith.addf %while3A_58, %dot_general3A_70 : vector<256x64xf32>
      scf.yield %add3A_71 : vector<256x64xf32>
    }
    %swap3A = arith.constant 0 : index
    %swap3A_52 = arith.constant 0 : index
    %swap3A_53 = arith.constant 0 : index
    %swap3A_54 = vector.load %arg5[%swap3A, %swap3A_52, %swap3A_53] : memref<1x256x64xf32, #tpu.memory_space<vmem>>, vector<1x256x64xf32>
    %swap3A_55 = vector.shape_cast %swap3A_54 : vector<1x256x64xf32> to vector<256x64xf32>
    %swap3A_56 = vector.shape_cast %while3A_51 : vector<256x64xf32> to vector<1x256x64xf32>
    tpu.vector_store %arg5[%swap3A, %swap3A_52, %swap3A_53], %swap3A_56 {strides = array<i32>} : memref<1x256x64xf32, #tpu.memory_space<vmem>>, vector<1x256x64xf32>,
    return
  }
  func.func @transform_0(%arg0: i32, %arg1: i32) -> (i32, i32, i32) {
    %c0_i32 = arith.constant 0 : i32
    %c0_i32_0 = arith.constant 0 : i32
    return %arg0, %arg1, %c0_i32 : i32, i32, i32
  }
  func.func @transform_1(%arg0: i32, %arg1: i32) -> (i32, i32, i32) {
    %c0_i32 = arith.constant 0 : i32
    %c0_i32_0 = arith.constant 0 : i32
    %c0_i32_1 = arith.constant 0 : i32
    return %arg0, %c0_i32, %c0_i32_0 : i32, i32, i32
  }
  func.func @transform_2(%arg0: i32, %arg1: i32) -> (i32, i32, i32) {
    %c0_i32 = arith.constant 0 : i32
    %c0_i32_0 = arith.constant 0 : i32
    %c0_i32_1 = arith.constant 0 : i32
    return %arg0, %c0_i32, %c0_i32_0 : i32, i32, i32
  }
  func.func @transform_3(%arg0: i32, %arg1: i32) -> (i32, i32, i32) {
    %c0_i32 = arith.constant 0 : i32
    %c0_i32_0 = arith.constant 0 : i32
    return %arg0, %arg1, %c0_i32 : i32, i32, i32
  }
}

module attributes {stable_mosaic.version = 14 : i64} {
  func.func @_post_body(%arg0: i32, %arg1: memref<256x1024xf32, #tpu.memory_space<vmem>>, %arg2: memref<256x1024xf32, #tpu.memory_space<vmem>>, %arg3: memref<1024x1024xf32, #tpu.memory_space<vmem>>, %arg4: memref<1x1024xf32, #tpu.memory_space<vmem>>, %arg5: memref<1x1024xf32, #tpu.memory_space<vmem>>, %arg6: memref<1x1024xf32, #tpu.memory_space<vmem>>, %arg7: memref<256x1024xf32, #tpu.memory_space<vmem>>, %arg8: memref<256x1024xf32, #tpu.memory_space<vmem>>) attributes {dimension_semantics = [#tpu.dimension_semantics<arbitrary>], iteration_bounds = array<i64: 8>, scalar_prefetch = 0 : i64, scratch_operands = 0 : i64, tpu.core_type = #tpu.core_type<tc>, window_params = [{transform_indices = @transform_0, window_bounds = array<i64: 256, 1024>}, {transform_indices = @transform_1, window_bounds = array<i64: 256, 1024>}, {pipeline_mode = #tpu.pipeline_mode<synchronous>, transform_indices = @transform_2, window_bounds = array<i64: 1024, 1024>}, {pipeline_mode = #tpu.pipeline_mode<synchronous>, transform_indices = @transform_3, window_bounds = array<i64: 1, 1024>}, {pipeline_mode = #tpu.pipeline_mode<synchronous>, transform_indices = @transform_4, window_bounds = array<i64: 1, 1024>}, {pipeline_mode = #tpu.pipeline_mode<synchronous>, transform_indices = @transform_5, window_bounds = array<i64: 1, 1024>}, {transform_indices = @transform_6, window_bounds = array<i64: 256, 1024>}, {transform_indices = @transform_7, window_bounds = array<i64: 256, 1024>}]} {
    %get3A = arith.constant 0 : index
    %get3A_0 = arith.constant 0 : index
    %get3A_1 = vector.load %arg1[%get3A, %get3A_0] : memref<256x1024xf32, #tpu.memory_space<vmem>>, vector<256x1024xf32>
    %get3A_2 = arith.constant 0 : index
    %get3A_3 = arith.constant 0 : index
    %get3A_4 = vector.load %arg2[%get3A_2, %get3A_3] : memref<256x1024xf32, #tpu.memory_space<vmem>>, vector<256x1024xf32>
    %get3A_5 = arith.constant 0 : index
    %get3A_6 = arith.constant 0 : index
    %get3A_7 = vector.load %arg3[%get3A_5, %get3A_6] : memref<1024x1024xf32, #tpu.memory_space<vmem>>, vector<1024x1024xf32>
    %dot_general3A = arith.constant dense<0.000000e+00> : vector<256x1024xf32>
    %dot_general3A_8 = tpu.matmul %get3A_4, %get3A_7, %dot_general3A {dimension_numbers = #tpu.dot_dimension_numbers<[1], [0], [0], [1], [0, 0, 1, 1], [], []>, transpose_lhs_hint = false} : vector<256x1024xf32>, vector<1024x1024xf32>, vector<256x1024xf32> -> vector<256x1024xf32>
    %add3A = arith.addf %get3A_1, %dot_general3A_8 : vector<256x1024xf32>
    %get3A_9 = arith.constant 0 : index
    %get3A_10 = arith.constant 0 : index
    %get3A_11 = vector.load %arg4[%get3A_9, %get3A_10] : memref<1x1024xf32, #tpu.memory_space<vmem>>, vector<1x1024xf32>
    %add3A_12 = vector.broadcast %get3A_11 : vector<1x1024xf32> to vector<256x1024xf32>
    %add3A_13 = arith.addf %add3A, %add3A_12 : vector<256x1024xf32>
    %swap3A = arith.constant 0 : index
    %swap3A_14 = arith.constant 0 : index
    %swap3A_15 = vector.load %arg7[%swap3A, %swap3A_14] : memref<256x1024xf32, #tpu.memory_space<vmem>>, vector<256x1024xf32>
    tpu.vector_store %arg7[%swap3A, %swap3A_14], %add3A_13 {strides = array<i32>} : memref<256x1024xf32, #tpu.memory_space<vmem>>, vector<256x1024xf32>,
    %get3A_16 = arith.constant 0 : index
    %get3A_17 = arith.constant 0 : index
    %get3A_18 = vector.load %arg5[%get3A_16, %get3A_17] : memref<1x1024xf32, #tpu.memory_space<vmem>>, vector<1x1024xf32>
    %get3A_19 = arith.constant 0 : index
    %get3A_20 = arith.constant 0 : index
    %get3A_21 = vector.load %arg6[%get3A_19, %get3A_20] : memref<1x1024xf32, #tpu.memory_space<vmem>>, vector<1x1024xf32>
    %reduce_sum3A = arith.constant dense<0.000000e+00> : vector<256xf32>
    %reduce_sum3A_22 = vector.multi_reduction <add>, %add3A_13, %reduce_sum3A [1] : vector<256x1024xf32> to vector<256xf32>
    %broadcast_in_dim3A = vector.shape_cast %reduce_sum3A_22 : vector<256xf32> to vector<256x1xf32>
    %div3A = arith.constant 1.024000e+03 : f32
    %div3A_23 = vector.broadcast %div3A : f32 to vector<256x1xf32>
    %div3A_24 = arith.divf %broadcast_in_dim3A, %div3A_23 : vector<256x1xf32>
    %sub3A = vector.broadcast %div3A_24 : vector<256x1xf32> to vector<256x1024xf32>
    %sub3A_25 = arith.subf %add3A_13, %sub3A : vector<256x1024xf32>
    %mul3A = arith.mulf %sub3A_25, %sub3A_25 : vector<256x1024xf32>
    %reduce_sum3A_26 = arith.constant dense<0.000000e+00> : vector<256xf32>
    %reduce_sum3A_27 = vector.multi_reduction <add>, %mul3A, %reduce_sum3A_26 [1] : vector<256x1024xf32> to vector<256xf32>
    %broadcast_in_dim3A_28 = vector.shape_cast %reduce_sum3A_27 : vector<256xf32> to vector<256x1xf32>
    %div3A_29 = arith.constant 1.023000e+03 : f32
    %div3A_30 = vector.broadcast %div3A_29 : f32 to vector<256x1xf32>
    %div3A_31 = arith.divf %broadcast_in_dim3A_28, %div3A_30 : vector<256x1xf32>
    %add3A_32 = arith.constant 9.99999971E-10 : f32
    %add3A_33 = vector.broadcast %add3A_32 : f32 to vector<256x1xf32>
    %add3A_34 = arith.addf %div3A_31, %add3A_33 : vector<256x1xf32>
    %sqrt3A = math.sqrt %add3A_34 : vector<256x1xf32>
    %div3A_35 = vector.broadcast %sqrt3A : vector<256x1xf32> to vector<256x1024xf32>
    %div3A_36 = arith.divf %sub3A_25, %div3A_35 : vector<256x1024xf32>
    %mul3A_37 = vector.broadcast %get3A_18 : vector<1x1024xf32> to vector<256x1024xf32>
    %mul3A_38 = arith.mulf %div3A_36, %mul3A_37 : vector<256x1024xf32>
    %add3A_39 = vector.broadcast %get3A_21 : vector<1x1024xf32> to vector<256x1024xf32>
    %add3A_40 = arith.addf %mul3A_38, %add3A_39 : vector<256x1024xf32>
    %swap3A_41 = arith.constant 0 : index
    %swap3A_42 = arith.constant 0 : index
    %swap3A_43 = vector.load %arg8[%swap3A_41, %swap3A_42] : memref<256x1024xf32, #tpu.memory_space<vmem>>, vector<256x1024xf32>
    tpu.vector_store %arg8[%swap3A_41, %swap3A_42], %add3A_40 {strides = array<i32>} : memref<256x1024xf32, #tpu.memory_space<vmem>>, vector<256x1024xf32>,
    return
  }
  func.func @transform_0(%arg0: i32) -> (i32, i32) {
    %c0_i32 = arith.constant 0 : i32
    %c0_i32_0 = arith.constant 0 : i32
    return %arg0, %c0_i32 : i32, i32
  }
  func.func @transform_1(%arg0: i32) -> (i32, i32) {
    %c0_i32 = arith.constant 0 : i32
    %c0_i32_0 = arith.constant 0 : i32
    return %arg0, %c0_i32 : i32, i32
  }
  func.func @transform_2(%arg0: i32) -> (i32, i32) {
    %c0_i32 = arith.constant 0 : i32
    %c0_i32_0 = arith.constant 0 : i32
    %c0_i32_1 = arith.constant 0 : i32
    return %c0_i32, %c0_i32_0 : i32, i32
  }
  func.func @transform_3(%arg0: i32) -> (i32, i32) {
    %c0_i32 = arith.constant 0 : i32
    %c0_i32_0 = arith.constant 0 : i32
    %c0_i32_1 = arith.constant 0 : i32
    return %c0_i32, %c0_i32_0 : i32, i32
  }
  func.func @transform_4(%arg0: i32) -> (i32, i32) {
    %c0_i32 = arith.constant 0 : i32
    %c0_i32_0 = arith.constant 0 : i32
    %c0_i32_1 = arith.constant 0 : i32
    return %c0_i32, %c0_i32_0 : i32, i32
  }
  func.func @transform_5(%arg0: i32) -> (i32, i32) {
    %c0_i32 = arith.constant 0 : i32
    %c0_i32_0 = arith.constant 0 : i32
    %c0_i32_1 = arith.constant 0 : i32
    return %c0_i32, %c0_i32_0 : i32, i32
  }
  func.func @transform_6(%arg0: i32) -> (i32, i32) {
    %c0_i32 = arith.constant 0 : i32
    %c0_i32_0 = arith.constant 0 : i32
    return %arg0, %c0_i32 : i32, i32
  }
  func.func @transform_7(%arg0: i32) -> (i32, i32) {
    %c0_i32 = arith.constant 0 : i32
    %c0_i32_0 = arith.constant 0 : i32
    return %arg0, %c0_i32 : i32, i32
  }
}

module attributes {stable_mosaic.version = 14 : i64} {
  func.func @_router_body(%arg0: i32, %arg1: memref<256x1024xf32, #tpu.memory_space<vmem>>, %arg2: memref<1024x4096xf32, #tpu.memory_space<vmem>>, %arg3: memref<1x4096xf32, #tpu.memory_space<vmem>>, %arg4: memref<4096x128xf32, #tpu.memory_space<vmem>>, %arg5: memref<1x128xf32, #tpu.memory_space<vmem>>, %arg6: memref<256x128xf32, #tpu.memory_space<vmem>>) attributes {dimension_semantics = [#tpu.dimension_semantics<arbitrary>], iteration_bounds = array<i64: 8>, scalar_prefetch = 0 : i64, scratch_operands = 0 : i64, tpu.core_type = #tpu.core_type<tc>, window_params = [{transform_indices = @transform_0, window_bounds = array<i64: 256, 1024>}, {pipeline_mode = #tpu.pipeline_mode<synchronous>, transform_indices = @transform_1, window_bounds = array<i64: 1024, 4096>}, {pipeline_mode = #tpu.pipeline_mode<synchronous>, transform_indices = @transform_2, window_bounds = array<i64: 1, 4096>}, {pipeline_mode = #tpu.pipeline_mode<synchronous>, transform_indices = @transform_3, window_bounds = array<i64: 4096, 128>}, {pipeline_mode = #tpu.pipeline_mode<synchronous>, transform_indices = @transform_4, window_bounds = array<i64: 1, 128>}, {transform_indices = @transform_5, window_bounds = array<i64: 256, 128>}]} {
    %get3A = arith.constant 0 : index
    %get3A_0 = arith.constant 0 : index
    %get3A_1 = vector.load %arg1[%get3A, %get3A_0] : memref<256x1024xf32, #tpu.memory_space<vmem>>, vector<256x1024xf32>
    %get3A_2 = arith.constant 0 : index
    %get3A_3 = arith.constant 0 : index
    %get3A_4 = vector.load %arg2[%get3A_2, %get3A_3] : memref<1024x4096xf32, #tpu.memory_space<vmem>>, vector<1024x4096xf32>
    %dot_general3A = arith.constant dense<0.000000e+00> : vector<256x4096xf32>
    %dot_general3A_5 = tpu.matmul %get3A_1, %get3A_4, %dot_general3A {dimension_numbers = #tpu.dot_dimension_numbers<[1], [0], [0], [1], [0, 0, 1, 1], [], []>, transpose_lhs_hint = false} : vector<256x1024xf32>, vector<1024x4096xf32>, vector<256x4096xf32> -> vector<256x4096xf32>
    %get3A_6 = arith.constant 0 : index
    %get3A_7 = arith.constant 0 : index
    %get3A_8 = vector.load %arg3[%get3A_6, %get3A_7] : memref<1x4096xf32, #tpu.memory_space<vmem>>, vector<1x4096xf32>
    %add3A = vector.broadcast %get3A_8 : vector<1x4096xf32> to vector<256x4096xf32>
    %add3A_9 = arith.addf %dot_general3A_5, %add3A : vector<256x4096xf32>
    %mul3A = arith.constant 5.000000e-01 : f32
    %mul3A_10 = vector.broadcast %mul3A : f32 to vector<256x4096xf32>
    %mul3A_11 = arith.mulf %mul3A_10, %add3A_9 : vector<256x4096xf32>
    %neg3A = arith.constant 0.000000e+00 : f32
    %neg3A_12 = vector.broadcast %neg3A : f32 to vector<256x4096xf32>
    %neg3A_13 = arith.subf %neg3A_12, %add3A_9 : vector<256x4096xf32>
    %mul3A_14 = arith.constant 0.707106769 : f32
    %mul3A_15 = vector.broadcast %mul3A_14 : f32 to vector<256x4096xf32>
    %mul3A_16 = arith.mulf %neg3A_13, %mul3A_15 : vector<256x4096xf32>
    %abs3A = math.absf %mul3A_16 : vector<256x4096xf32>
    %neg3A_17 = arith.constant 0.000000e+00 : f32
    %neg3A_18 = vector.broadcast %neg3A_17 : f32 to vector<256x4096xf32>
    %neg3A_19 = arith.subf %neg3A_18, %mul3A_16 : vector<256x4096xf32>
    %mul3A_20 = arith.mulf %neg3A_19, %mul3A_16 : vector<256x4096xf32>
    %exp3A = math.exp %mul3A_20 : vector<256x4096xf32>
    %div3A = arith.constant 1.000000e+00 : f32
    %div3A_21 = vector.broadcast %div3A : f32 to vector<256x4096xf32>
    %div3A_22 = arith.divf %div3A_21, %abs3A : vector<256x4096xf32>
    %mul3A_23 = arith.mulf %div3A_22, %div3A_22 : vector<256x4096xf32>
    %lt3A = arith.constant 2.000000e+00 : f32
    %lt3A_24 = vector.broadcast %lt3A : f32 to vector<256x4096xf32>
    %lt3A_25 = arith.cmpf olt, %abs3A, %lt3A_24 : vector<256x4096xf32>
    %broadcast_in_dim3A = arith.constant 0.000000e+00 : f32
    %broadcast_in_dim3A_26 = vector.broadcast %broadcast_in_dim3A : f32 to vector<256x4096xf32>
    %mul3A_27 = arith.mulf %broadcast_in_dim3A_26, %mul3A_23 : vector<256x4096xf32>
    %add3A_28 = arith.constant 2.326820e-02 : f32
    %add3A_29 = vector.broadcast %add3A_28 : f32 to vector<256x4096xf32>
    %add3A_30 = arith.addf %mul3A_27, %add3A_29 : vector<256x4096xf32>
    %mul3A_31 = arith.mulf %add3A_30, %mul3A_23 : vector<256x4096xf32>
    %add3A_32 = arith.constant -0.138703942 : f32
    %add3A_33 = vector.broadcast %add3A_32 : f32 to vector<256x4096xf32>
    %add3A_34 = arith.addf %mul3A_31, %add3A_33 : vector<256x4096xf32>
    %mul3A_35 = arith.mulf %add3A_34, %mul3A_23 : vector<256x4096xf32>
    %add3A_36 = arith.constant 0.368742466 : f32
    %add3A_37 = vector.broadcast %add3A_36 : f32 to vector<256x4096xf32>
    %add3A_38 = arith.addf %mul3A_35, %add3A_37 : vector<256x4096xf32>
    %mul3A_39 = arith.mulf %add3A_38, %mul3A_23 : vector<256x4096xf32>
    %add3A_40 = arith.constant -0.582473278 : f32
    %add3A_41 = vector.broadcast %add3A_40 : f32 to vector<256x4096xf32>
    %add3A_42 = arith.addf %mul3A_39, %add3A_41 : vector<256x4096xf32>
    %mul3A_43 = arith.mulf %add3A_42, %mul3A_23 : vector<256x4096xf32>
    %add3A_44 = arith.constant 0.621000468 : f32
    %add3A_45 = vector.broadcast %add3A_44 : f32 to vector<256x4096xf32>
    %add3A_46 = arith.addf %mul3A_43, %add3A_45 : vector<256x4096xf32>
    %mul3A_47 = arith.mulf %add3A_46, %mul3A_23 : vector<256x4096xf32>
    %add3A_48 = arith.constant -0.494451523 : f32
    %add3A_49 = vector.broadcast %add3A_48 : f32 to vector<256x4096xf32>
    %add3A_50 = arith.addf %mul3A_47, %add3A_49 : vector<256x4096xf32>
    %mul3A_51 = arith.mulf %add3A_50, %mul3A_23 : vector<256x4096xf32>
    %add3A_52 = arith.constant 3.404880e-01 : f32
    %add3A_53 = vector.broadcast %add3A_52 : f32 to vector<256x4096xf32>
    %add3A_54 = arith.addf %mul3A_51, %add3A_53 : vector<256x4096xf32>
    %mul3A_55 = arith.mulf %add3A_54, %mul3A_23 : vector<256x4096xf32>
    %add3A_56 = arith.constant -0.274112701 : f32
    %add3A_57 = vector.broadcast %add3A_56 : f32 to vector<256x4096xf32>
    %add3A_58 = arith.addf %mul3A_55, %add3A_57 : vector<256x4096xf32>
    %mul3A_59 = arith.mulf %add3A_58, %mul3A_23 : vector<256x4096xf32>
    %add3A_60 = arith.constant 0.563825965 : f32
    %add3A_61 = vector.broadcast %add3A_60 : f32 to vector<256x4096xf32>
    %add3A_62 = arith.addf %mul3A_59, %add3A_61 : vector<256x4096xf32>
    %broadcast_in_dim3A_63 = arith.constant 0.000000e+00 : f32
    %broadcast_in_dim3A_64 = vector.broadcast %broadcast_in_dim3A_63 : f32 to vector<256x4096xf32>
    %mul3A_65 = arith.mulf %broadcast_in_dim3A_64, %mul3A_23 : vector<256x4096xf32>
    %add3A_66 = arith.constant -10.477664 : f32
    %add3A_67 = vector.broadcast %add3A_66 : f32 to vector<256x4096xf32>
    %add3A_68 = arith.addf %mul3A_65, %add3A_67 : vector<256x4096xf32>
    %mul3A_69 = arith.mulf %add3A_68, %mul3A_23 : vector<256x4096xf32>
    %add3A_70 = arith.constant 1.297720e+01 : f32
    %add3A_71 = vector.broadcast %add3A_70 : f32 to vector<256x4096xf32>
    %add3A_72 = arith.addf %mul3A_69, %add3A_71 : vector<256x4096xf32>
    %mul3A_73 = arith.mulf %add3A_72, %mul3A_23 : vector<256x4096xf32>
    %add3A_74 = arith.constant -7.49551868 : f32
    %add3A_75 = vector.broadcast %add3A_74 : f32 to vector<256x4096xf32>
    %add3A_76 = arith.addf %mul3A_73, %add3A_75 : vector<256x4096xf32>
    %mul3A_77 = arith.mulf %add3A_76, %mul3A_23 : vector<256x4096xf32>
    %add3A_78 = arith.constant 2.92101908 : f32
    %add3A_79 = vector.broadcast %add3A_78 : f32 to vector<256x4096xf32>
    %add3A_80 = arith.addf %mul3A_77, %add3A_79 : vector<256x4096xf32>
    %mul3A_81 = arith.mulf %add3A_80, %mul3A_23 : vector<256x4096xf32>
    %add3A_82 = arith.constant -1.01526523 : f32
    %add3A_83 = vector.broadcast %add3A_82 : f32 to vector<256x4096xf32>
    %add3A_84 = arith.addf %mul3A_81, %add3A_83 : vector<256x4096xf32>
    %mul3A_85 = arith.mulf %add3A_84, %mul3A_23 : vector<256x4096xf32>
    %add3A_86 = arith.constant 0.42184633 : f32
    %add3A_87 = vector.broadcast %add3A_86 : f32 to vector<256x4096xf32>
    %add3A_88 = arith.addf %mul3A_85, %add3A_87 : vector<256x4096xf32>
    %mul3A_89 = arith.mulf %add3A_88, %mul3A_23 : vector<256x4096xf32>
    %add3A_90 = arith.constant -0.282076746 : f32
    %add3A_91 = vector.broadcast %add3A_90 : f32 to vector<256x4096xf32>
    %add3A_92 = arith.addf %mul3A_89, %add3A_91 : vector<256x4096xf32>
    %mul3A_93 = arith.mulf %add3A_92, %mul3A_23 : vector<256x4096xf32>
    %add3A_94 = arith.constant 0.564189494 : f32
    %add3A_95 = vector.broadcast %add3A_94 : f32 to vector<256x4096xf32>
    %add3A_96 = arith.addf %mul3A_93, %add3A_95 : vector<256x4096xf32>
    %select_n3A = arith.select %lt3A_25, %add3A_62, %add3A_96 : vector<256x4096xi1>, vector<256x4096xf32>
    %mul3A_97 = arith.mulf %exp3A, %div3A_22 : vector<256x4096xf32>
    %mul3A_98 = arith.mulf %mul3A_97, %select_n3A : vector<256x4096xf32>
    %mul3A_99 = arith.mulf %mul3A_16, %mul3A_16 : vector<256x4096xf32>
    %neg3A_100 = arith.constant 0.000000e+00 : f32
    %neg3A_101 = vector.broadcast %neg3A_100 : f32 to vector<256x4096xf32>
    %neg3A_102 = arith.subf %neg3A_101, %mul3A_99 : vector<256x4096xf32>
    %lt3A_103 = arith.constant -88.7228394 : f32
    %lt3A_104 = vector.broadcast %lt3A_103 : f32 to vector<256x4096xf32>
    %lt3A_105 = arith.cmpf olt, %neg3A_102, %lt3A_104 : vector<256x4096xf32>
    %jit3A = arith.constant 0.000000e+00 : f32
    %broadcast_in_dim3A_106 = vector.broadcast %jit3A : f32 to vector<256x4096xf32>
    %select_n3A_107 = arith.select %lt3A_105, %broadcast_in_dim3A_106, %mul3A_98 : vector<256x4096xi1>, vector<256x4096xf32>
    %lt3A_108 = arith.constant 0.000000e+00 : f32
    %lt3A_109 = vector.broadcast %lt3A_108 : f32 to vector<256x4096xf32>
    %lt3A_110 = arith.cmpf olt, %mul3A_16, %lt3A_109 : vector<256x4096xf32>
    %sub3A = arith.constant 2.000000e+00 : f32
    %sub3A_111 = vector.broadcast %sub3A : f32 to vector<256x4096xf32>
    %sub3A_112 = arith.subf %sub3A_111, %select_n3A_107 : vector<256x4096xf32>
    %select_n3A_113 = arith.select %lt3A_110, %sub3A_112, %select_n3A_107 : vector<256x4096xi1>, vector<256x4096xf32>
    %mul3A_114 = arith.mulf %mul3A_16, %mul3A_16 : vector<256x4096xf32>
    %broadcast_in_dim3A_115 = arith.constant 0.000000e+00 : f32
    %broadcast_in_dim3A_116 = vector.broadcast %broadcast_in_dim3A_115 : f32 to vector<256x4096xf32>
    %mul3A_117 = arith.mulf %broadcast_in_dim3A_116, %mul3A_114 : vector<256x4096xf32>
    %add3A_118 = arith.constant 7.85386146E-5 : f32
    %add3A_119 = vector.broadcast %add3A_118 : f32 to vector<256x4096xf32>
    %add3A_120 = arith.addf %mul3A_117, %add3A_119 : vector<256x4096xf32>
    %mul3A_121 = arith.mulf %add3A_120, %mul3A_114 : vector<256x4096xf32>
    %add3A_122 = arith.constant -8.0101937E-4 : f32
    %add3A_123 = vector.broadcast %add3A_122 : f32 to vector<256x4096xf32>
    %add3A_124 = arith.addf %mul3A_121, %add3A_123 : vector<256x4096xf32>
    %mul3A_125 = arith.mulf %add3A_124, %mul3A_114 : vector<256x4096xf32>
    %add3A_126 = arith.constant 0.00518832775 : f32
    %add3A_127 = vector.broadcast %add3A_126 : f32 to vector<256x4096xf32>
    %add3A_128 = arith.addf %mul3A_125, %add3A_127 : vector<256x4096xf32>
    %mul3A_129 = arith.mulf %add3A_128, %mul3A_114 : vector<256x4096xf32>
    %add3A_130 = arith.constant -0.0268538129 : f32
    %add3A_131 = vector.broadcast %add3A_130 : f32 to vector<256x4096xf32>
    %add3A_132 = arith.addf %mul3A_129, %add3A_131 : vector<256x4096xf32>
    %mul3A_133 = arith.mulf %add3A_132, %mul3A_114 : vector<256x4096xf32>
    %add3A_134 = arith.constant 0.112835854 : f32
    %add3A_135 = vector.broadcast %add3A_134 : f32 to vector<256x4096xf32>
    %add3A_136 = arith.addf %mul3A_133, %add3A_135 : vector<256x4096xf32>
    %mul3A_137 = arith.mulf %add3A_136, %mul3A_114 : vector<256x4096xf32>
    %add3A_138 = arith.constant -0.37612626 : f32
    %add3A_139 = vector.broadcast %add3A_138 : f32 to vector<256x4096xf32>
    %add3A_140 = arith.addf %mul3A_137, %add3A_139 : vector<256x4096xf32>
    %mul3A_141 = arith.mulf %add3A_140, %mul3A_114 : vector<256x4096xf32>
    %add3A_142 = arith.constant 1.12837911 : f32
    %add3A_143 = vector.broadcast %add3A_142 : f32 to vector<256x4096xf32>
    %add3A_144 = arith.addf %mul3A_141, %add3A_143 : vector<256x4096xf32>
    %mul3A_145 = arith.mulf %mul3A_16, %add3A_144 : vector<256x4096xf32>
    %sub3A_146 = arith.constant 1.000000e+00 : f32
    %sub3A_147 = vector.broadcast %sub3A_146 : f32 to vector<256x4096xf32>
    %sub3A_148 = arith.subf %sub3A_147, %mul3A_145 : vector<256x4096xf32>
    %gt3A = arith.constant 1.000000e+00 : f32
    %gt3A_149 = vector.broadcast %gt3A : f32 to vector<256x4096xf32>
    %gt3A_150 = arith.cmpf ogt, %abs3A, %gt3A_149 : vector<256x4096xf32>
    %select_n3A_151 = arith.select %gt3A_150, %select_n3A_113, %sub3A_148 : vector<256x4096xi1>, vector<256x4096xf32>
    %mul3A_152 = arith.mulf %mul3A_11, %select_n3A_151 : vector<256x4096xf32>
    %get3A_153 = arith.constant 0 : index
    %get3A_154 = arith.constant 0 : index
    %get3A_155 = vector.load %arg4[%get3A_153, %get3A_154] : memref<4096x128xf32, #tpu.memory_space<vmem>>, vector<4096x128xf32>
    %dot_general3A_156 = arith.constant dense<0.000000e+00> : vector<256x128xf32>
    %dot_general3A_157 = tpu.matmul %mul3A_152, %get3A_155, %dot_general3A_156 {dimension_numbers = #tpu.dot_dimension_numbers<[1], [0], [0], [1], [0, 0, 1, 1], [], []>, transpose_lhs_hint = false} : vector<256x4096xf32>, vector<4096x128xf32>, vector<256x128xf32> -> vector<256x128xf32>
    %get3A_158 = arith.constant 0 : index
    %get3A_159 = arith.constant 0 : index
    %get3A_160 = vector.load %arg5[%get3A_158, %get3A_159] : memref<1x128xf32, #tpu.memory_space<vmem>>, vector<1x128xf32>
    %add3A_161 = vector.broadcast %get3A_160 : vector<1x128xf32> to vector<256x128xf32>
    %add3A_162 = arith.addf %dot_general3A_157, %add3A_161 : vector<256x128xf32>
    %swap3A = arith.constant 0 : index
    %swap3A_163 = arith.constant 0 : index
    %swap3A_164 = vector.load %arg6[%swap3A, %swap3A_163] : memref<256x128xf32, #tpu.memory_space<vmem>>, vector<256x128xf32>
    tpu.vector_store %arg6[%swap3A, %swap3A_163], %add3A_162 {strides = array<i32>} : memref<256x128xf32, #tpu.memory_space<vmem>>, vector<256x128xf32>,
    return
  }
  func.func @transform_0(%arg0: i32) -> (i32, i32) {
    %c0_i32 = arith.constant 0 : i32
    %c0_i32_0 = arith.constant 0 : i32
    return %arg0, %c0_i32 : i32, i32
  }
  func.func @transform_1(%arg0: i32) -> (i32, i32) {
    %c0_i32 = arith.constant 0 : i32
    %c0_i32_0 = arith.constant 0 : i32
    %c0_i32_1 = arith.constant 0 : i32
    return %c0_i32, %c0_i32_0 : i32, i32
  }
  func.func @transform_2(%arg0: i32) -> (i32, i32) {
    %c0_i32 = arith.constant 0 : i32
    %c0_i32_0 = arith.constant 0 : i32
    %c0_i32_1 = arith.constant 0 : i32
    return %c0_i32, %c0_i32_0 : i32, i32
  }
  func.func @transform_3(%arg0: i32) -> (i32, i32) {
    %c0_i32 = arith.constant 0 : i32
    %c0_i32_0 = arith.constant 0 : i32
    %c0_i32_1 = arith.constant 0 : i32
    return %c0_i32, %c0_i32_0 : i32, i32
  }
  func.func @transform_4(%arg0: i32) -> (i32, i32) {
    %c0_i32 = arith.constant 0 : i32
    %c0_i32_0 = arith.constant 0 : i32
    %c0_i32_1 = arith.constant 0 : i32
    return %c0_i32, %c0_i32_0 : i32, i32
  }
  func.func @transform_5(%arg0: i32) -> (i32, i32) {
    %c0_i32 = arith.constant 0 : i32
    %c0_i32_0 = arith.constant 0 : i32
    return %arg0, %c0_i32 : i32, i32
  }
}

module attributes {stable_mosaic.version = 14 : i64} {
  func.func @_meta_body(%arg0: i32, %arg1: memref<256x128xf32, #tpu.memory_space<vmem>>, %arg2: memref<256x1xi32, #tpu.memory_space<vmem>>, %arg3: memref<256x1xi32, #tpu.memory_space<vmem>>, %arg4: memref<256x1xi32, #tpu.memory_space<vmem>>, %arg5: memref<1x128xf32, #tpu.memory_space<vmem>>) attributes {dimension_semantics = [#tpu.dimension_semantics<arbitrary>], iteration_bounds = array<i64: 8>, scalar_prefetch = 0 : i64, scratch_operands = 1 : i64, tpu.core_type = #tpu.core_type<tc>, window_params = [{transform_indices = @transform_0, window_bounds = array<i64: 256, 128>}, {transform_indices = @transform_1, window_bounds = array<i64: 256, 1>}, {transform_indices = @transform_2, window_bounds = array<i64: 256, 1>}, {transform_indices = @transform_3, window_bounds = array<i64: 256, 1>}]} {
    %eq3A = arith.constant 0 : i32
    %eq3A_0 = arith.cmpi eq, %arg0, %eq3A : i32
    %convert_element_type3A = arith.extui %eq3A_0 : i1 to i32
    %cond3A = arith.constant 0 : i32
    %cond3A_1 = arith.cmpi ne, %convert_element_type3A, %cond3A : i32
    scf.if %cond3A_1 {
      %broadcast_in_dim3A_59 = arith.constant 0.000000e+00 : f32
      %broadcast_in_dim3A_60 = vector.broadcast %broadcast_in_dim3A_59 : f32 to vector<1x128xf32>
      %swap3A_61 = arith.constant 0 : index
      %swap3A_62 = arith.constant 0 : index
      %swap3A_63 = vector.load %arg5[%swap3A_61, %swap3A_62] : memref<1x128xf32, #tpu.memory_space<vmem>>, vector<1x128xf32>
      tpu.vector_store %arg5[%swap3A_61, %swap3A_62], %broadcast_in_dim3A_60 {strides = array<i32>} : memref<1x128xf32, #tpu.memory_space<vmem>>, vector<1x128xf32>,
    } else {
    }
    %get3A = arith.constant 0 : index
    %get3A_2 = arith.constant 0 : index
    %get3A_3 = vector.load %arg1[%get3A, %get3A_2] : memref<256x128xf32, #tpu.memory_space<vmem>>, vector<256x128xf32>
    %iota3A = tpu.iota {dimensions = array<i32: 1>} : vector<256x128xi32>
    %reduce_max3A = arith.constant dense<0xFF800000> : vector<256xf32>
    %reduce_max3A_4 = vector.multi_reduction <maximumf>, %get3A_3, %reduce_max3A [1] : vector<256x128xf32> to vector<256xf32>
    %broadcast_in_dim3A = vector.shape_cast %reduce_max3A_4 : vector<256xf32> to vector<256x1xf32>
    %eq3A_5 = vector.broadcast %broadcast_in_dim3A : vector<256x1xf32> to vector<256x128xf32>
    %eq3A_6 = arith.cmpf oeq, %get3A_3, %eq3A_5 : vector<256x128xf32>
    %jit3A = arith.constant 128 : i32
    %broadcast_in_dim3A_7 = vector.broadcast %jit3A : i32 to vector<256x128xi32>
    %select_n3A = arith.select %eq3A_6, %iota3A, %broadcast_in_dim3A_7 : vector<256x128xi1>, vector<256x128xi32>
    %reduce_min3A = arith.constant dense<2147483647> : vector<256xi32>
    %reduce_min3A_8 = vector.multi_reduction <minsi>, %select_n3A, %reduce_min3A [1] : vector<256x128xi32> to vector<256xi32>
    %broadcast_in_dim3A_9 = vector.shape_cast %reduce_min3A_8 : vector<256xi32> to vector<256x1xi32>
    %eq3A_10 = vector.broadcast %broadcast_in_dim3A_9 : vector<256x1xi32> to vector<256x128xi32>
    %eq3A_11 = arith.cmpi eq, %iota3A, %eq3A_10 : vector<256x128xi32>
    %convert_element_type3A_12 = arith.extui %eq3A_11 : vector<256x128xi1> to vector<256x128xi32>
    %convert_element_type3A_13 = arith.sitofp %convert_element_type3A_12 : vector<256x128xi32> to vector<256x128xf32>
    %iota3A_14 = tpu.iota {dimensions = array<i32: 0>} : vector<256x256xi32>
    %iota3A_15 = tpu.iota {dimensions = array<i32: 1>} : vector<256x256xi32>
    %le3A = arith.cmpi sle, %iota3A_15, %iota3A_14 : vector<256x256xi32>
    %convert_element_type3A_16 = arith.extui %le3A : vector<256x256xi1> to vector<256x256xi32>
    %convert_element_type3A_17 = arith.sitofp %convert_element_type3A_16 : vector<256x256xi32> to vector<256x256xf32>
    %dot_general3A = arith.constant dense<0.000000e+00> : vector<256x128xf32>
    %dot_general3A_18 = tpu.matmul %convert_element_type3A_17, %convert_element_type3A_13, %dot_general3A {dimension_numbers = #tpu.dot_dimension_numbers<[1], [0], [0], [1], [0, 0, 1, 1], [], []>, transpose_lhs_hint = false} : vector<256x256xf32>, vector<256x128xf32>, vector<256x128xf32> -> vector<256x128xf32>
    %get3A_19 = arith.constant 0 : index
    %get3A_20 = arith.constant 0 : index
    %get3A_21 = vector.load %arg5[%get3A_19, %get3A_20] : memref<1x128xf32, #tpu.memory_space<vmem>>, vector<1x128xf32>
    %add3A = vector.broadcast %get3A_21 : vector<1x128xf32> to vector<256x128xf32>
    %add3A_22 = arith.addf %dot_general3A_18, %add3A : vector<256x128xf32>
    %get3A_23 = arith.constant 0 : index
    %get3A_24 = arith.constant 0 : index
    %get3A_25 = vector.load %arg5[%get3A_23, %get3A_24] : memref<1x128xf32, #tpu.memory_space<vmem>>, vector<1x128xf32>
    %reduce_sum3A = arith.constant dense<0.000000e+00> : vector<128xf32>
    %reduce_sum3A_26 = vector.multi_reduction <add>, %convert_element_type3A_13, %reduce_sum3A [0] : vector<256x128xf32> to vector<128xf32>
    %broadcast_in_dim3A_27 = vector.shape_cast %reduce_sum3A_26 : vector<128xf32> to vector<1x128xf32>
    %add3A_28 = arith.addf %get3A_25, %broadcast_in_dim3A_27 : vector<1x128xf32>
    %swap3A = arith.constant 0 : index
    %swap3A_29 = arith.constant 0 : index
    %swap3A_30 = vector.load %arg5[%swap3A, %swap3A_29] : memref<1x128xf32, #tpu.memory_space<vmem>>, vector<1x128xf32>
    tpu.vector_store %arg5[%swap3A, %swap3A_29], %add3A_28 {strides = array<i32>} : memref<1x128xf32, #tpu.memory_space<vmem>>, vector<1x128xf32>,
    %mul3A = arith.mulf %add3A_22, %convert_element_type3A_13 : vector<256x128xf32>
    %reduce_sum3A_31 = arith.constant dense<0.000000e+00> : vector<256xf32>
    %reduce_sum3A_32 = vector.multi_reduction <add>, %mul3A, %reduce_sum3A_31 [1] : vector<256x128xf32> to vector<256xf32>
    %broadcast_in_dim3A_33 = vector.shape_cast %reduce_sum3A_32 : vector<256xf32> to vector<256x1xf32>
    %convert_element_type3A_34 = arith.fptosi %broadcast_in_dim3A_33 : vector<256x1xf32> to vector<256x1xi32>
    %sub3A = arith.constant 1 : i32
    %sub3A_35 = vector.broadcast %sub3A : i32 to vector<256x1xi32>
    %sub3A_36 = arith.subi %convert_element_type3A_34, %sub3A_35 : vector<256x1xi32>
    %lt3A = arith.constant 160 : i32
    %lt3A_37 = vector.broadcast %lt3A : i32 to vector<256x1xi32>
    %lt3A_38 = arith.cmpi slt, %sub3A_36, %lt3A_37 : vector<256x1xi32>
    %mul3A_39 = arith.constant 160 : i32
    %mul3A_40 = vector.broadcast %mul3A_39 : i32 to vector<256x1xi32>
    %mul3A_41 = arith.muli %broadcast_in_dim3A_9, %mul3A_40 : vector<256x1xi32>
    %add3A_42 = arith.addi %mul3A_41, %sub3A_36 : vector<256x1xi32>
    %jit3A_43 = arith.constant 2560 : i32
    %broadcast_in_dim3A_44 = vector.broadcast %jit3A_43 : i32 to vector<256x1xi32>
    %select_n3A_45 = arith.select %lt3A_38, %add3A_42, %broadcast_in_dim3A_44 : vector<256x1xi1>, vector<256x1xi32>
    %swap3A_46 = arith.constant 0 : index
    %swap3A_47 = arith.constant 0 : index
    %swap3A_48 = vector.load %arg2[%swap3A_46, %swap3A_47] : memref<256x1xi32, #tpu.memory_space<vmem>>, vector<256x1xi32>
    tpu.vector_store %arg2[%swap3A_46, %swap3A_47], %select_n3A_45 {strides = array<i32>} : memref<256x1xi32, #tpu.memory_space<vmem>>, vector<256x1xi32>,
    %jit3A_49 = arith.constant 0 : i32
    %broadcast_in_dim3A_50 = vector.broadcast %jit3A_49 : i32 to vector<256x1xi32>
    %select_n3A_51 = arith.select %lt3A_38, %add3A_42, %broadcast_in_dim3A_50 : vector<256x1xi1>, vector<256x1xi32>
    %swap3A_52 = arith.constant 0 : index
    %swap3A_53 = arith.constant 0 : index
    %swap3A_54 = vector.load %arg3[%swap3A_52, %swap3A_53] : memref<256x1xi32, #tpu.memory_space<vmem>>, vector<256x1xi32>
    tpu.vector_store %arg3[%swap3A_52, %swap3A_53], %select_n3A_51 {strides = array<i32>} : memref<256x1xi32, #tpu.memory_space<vmem>>, vector<256x1xi32>,
    %convert_element_type3A_55 = arith.extui %lt3A_38 : vector<256x1xi1> to vector<256x1xi32>
    %swap3A_56 = arith.constant 0 : index
    %swap3A_57 = arith.constant 0 : index
    %swap3A_58 = vector.load %arg4[%swap3A_56, %swap3A_57] : memref<256x1xi32, #tpu.memory_space<vmem>>, vector<256x1xi32>
    tpu.vector_store %arg4[%swap3A_56, %swap3A_57], %convert_element_type3A_55 {strides = array<i32>} : memref<256x1xi32, #tpu.memory_space<vmem>>, vector<256x1xi32>,
    return
  }
  func.func @transform_0(%arg0: i32) -> (i32, i32) {
    %c0_i32 = arith.constant 0 : i32
    %c0_i32_0 = arith.constant 0 : i32
    return %arg0, %c0_i32 : i32, i32
  }
  func.func @transform_1(%arg0: i32) -> (i32, i32) {
    %c0_i32 = arith.constant 0 : i32
    %c0_i32_0 = arith.constant 0 : i32
    return %arg0, %c0_i32 : i32, i32
  }
  func.func @transform_2(%arg0: i32) -> (i32, i32) {
    %c0_i32 = arith.constant 0 : i32
    %c0_i32_0 = arith.constant 0 : i32
    return %arg0, %c0_i32 : i32, i32
  }
  func.func @transform_3(%arg0: i32) -> (i32, i32) {
    %c0_i32 = arith.constant 0 : i32
    %c0_i32_0 = arith.constant 0 : i32
    return %arg0, %c0_i32 : i32, i32
  }
}

module attributes {stable_mosaic.version = 14 : i64} {
  func.func @_expert_body(%arg0: i32, %arg1: i32, %arg2: memref<160x1024xf32, #tpu.memory_space<vmem>>, %arg3: memref<1x1024x1024xf32, #tpu.memory_space<vmem>>, %arg4: memref<1x1024x1024xf32, #tpu.memory_space<vmem>>, %arg5: memref<160x1024xf32, #tpu.memory_space<vmem>>, %arg6: memref<160x1024xf32, #tpu.memory_space<vmem>>) attributes {dimension_semantics = [#tpu.dimension_semantics<arbitrary>, #tpu.dimension_semantics<arbitrary>], iteration_bounds = array<i64: 16, 4>, scalar_prefetch = 0 : i64, scratch_operands = 1 : i64, tpu.core_type = #tpu.core_type<tc>, window_params = [{transform_indices = @transform_0, window_bounds = array<i64: 160, 1024>}, {transform_indices = @transform_1, window_bounds = array<i64: 1, 1024, 1024>}, {transform_indices = @transform_2, window_bounds = array<i64: 1, 1024, 1024>}, {transform_indices = @transform_3, window_bounds = array<i64: 160, 1024>}]} {
    %get3A = arith.constant 0 : index
    %get3A_0 = arith.constant 0 : index
    %get3A_1 = vector.load %arg2[%get3A, %get3A_0] : memref<160x1024xf32, #tpu.memory_space<vmem>>, vector<160x1024xf32>
    %convert_element_type3A = arith.truncf %get3A_1 : vector<160x1024xf32> to vector<160x1024xbf16>
    %get3A_2 = arith.constant 0 : index
    %get3A_3 = arith.constant 0 : index
    %get3A_4 = arith.constant 0 : index
    %get3A_5 = vector.load %arg3[%get3A_2, %get3A_3, %get3A_4] : memref<1x1024x1024xf32, #tpu.memory_space<vmem>>, vector<1x1024x1024xf32>
    %get3A_6 = vector.shape_cast %get3A_5 : vector<1x1024x1024xf32> to vector<1024x1024xf32>
    %convert_element_type3A_7 = arith.truncf %get3A_6 : vector<1024x1024xf32> to vector<1024x1024xbf16>
    %dot_general3A = arith.constant dense<0.000000e+00> : vector<160x1024xf32>
    %dot_general3A_8 = tpu.matmul %convert_element_type3A, %convert_element_type3A_7, %dot_general3A {dimension_numbers = #tpu.dot_dimension_numbers<[1], [0], [0], [1], [0, 0, 1, 1], [], []>, transpose_lhs_hint = false} : vector<160x1024xbf16>, vector<1024x1024xbf16>, vector<160x1024xf32> -> vector<160x1024xf32>
    %mul3A = arith.constant 5.000000e-01 : f32
    %mul3A_9 = vector.broadcast %mul3A : f32 to vector<160x1024xf32>
    %mul3A_10 = arith.mulf %mul3A_9, %dot_general3A_8 : vector<160x1024xf32>
    %mul3A_11 = arith.constant 0.707106769 : f32
    %mul3A_12 = vector.broadcast %mul3A_11 : f32 to vector<160x1024xf32>
    %mul3A_13 = arith.mulf %dot_general3A_8, %mul3A_12 : vector<160x1024xf32>
    %erf3A = math.erf %mul3A_13 : vector<160x1024xf32>
    %add3A = arith.constant 1.000000e+00 : f32
    %add3A_14 = vector.broadcast %add3A : f32 to vector<160x1024xf32>
    %add3A_15 = arith.addf %add3A_14, %erf3A : vector<160x1024xf32>
    %mul3A_16 = arith.mulf %mul3A_10, %add3A_15 : vector<160x1024xf32>
    %convert_element_type3A_17 = arith.truncf %mul3A_16 : vector<160x1024xf32> to vector<160x1024xbf16>
    %get3A_18 = arith.constant 0 : index
    %get3A_19 = arith.constant 0 : index
    %get3A_20 = arith.constant 0 : index
    %get3A_21 = vector.load %arg4[%get3A_18, %get3A_19, %get3A_20] : memref<1x1024x1024xf32, #tpu.memory_space<vmem>>, vector<1x1024x1024xf32>
    %get3A_22 = vector.shape_cast %get3A_21 : vector<1x1024x1024xf32> to vector<1024x1024xf32>
    %convert_element_type3A_23 = arith.truncf %get3A_22 : vector<1024x1024xf32> to vector<1024x1024xbf16>
    %dot_general3A_24 = arith.constant dense<0.000000e+00> : vector<160x1024xf32>
    %dot_general3A_25 = tpu.matmul %convert_element_type3A_17, %convert_element_type3A_23, %dot_general3A_24 {dimension_numbers = #tpu.dot_dimension_numbers<[1], [0], [0], [1], [0, 0, 1, 1], [], []>, transpose_lhs_hint = false} : vector<160x1024xbf16>, vector<1024x1024xbf16>, vector<160x1024xf32> -> vector<160x1024xf32>
    %eq3A = arith.constant 0 : i32
    %eq3A_26 = arith.cmpi eq, %arg1, %eq3A : i32
    %convert_element_type3A_27 = arith.extui %eq3A_26 : i1 to i32
    %cond3A = arith.constant 0 : i32
    %cond3A_28 = arith.cmpi ne, %convert_element_type3A_27, %cond3A : i32
    scf.if %cond3A_28 {
      %swap3A = arith.constant 0 : index
      %swap3A_38 = arith.constant 0 : index
      %swap3A_39 = vector.load %arg6[%swap3A, %swap3A_38] : memref<160x1024xf32, #tpu.memory_space<vmem>>, vector<160x1024xf32>
      tpu.vector_store %arg6[%swap3A, %swap3A_38], %dot_general3A_25 {strides = array<i32>} : memref<160x1024xf32, #tpu.memory_space<vmem>>, vector<160x1024xf32>,
    } else {
    }
    %gt3A = arith.constant 0 : i32
    %gt3A_29 = arith.cmpi sgt, %arg1, %gt3A : i32
    %convert_element_type3A_30 = arith.extui %gt3A_29 : i1 to i32
    %cond3A_31 = arith.constant 0 : i32
    %cond3A_32 = arith.cmpi ne, %convert_element_type3A_30, %cond3A_31 : i32
    scf.if %cond3A_32 {
      %get3A_38 = arith.constant 0 : index
      %get3A_39 = arith.constant 0 : index
      %get3A_40 = vector.load %arg6[%get3A_38, %get3A_39] : memref<160x1024xf32, #tpu.memory_space<vmem>>, vector<160x1024xf32>
      %add3A_41 = arith.addf %get3A_40, %dot_general3A_25 : vector<160x1024xf32>
      %swap3A = arith.constant 0 : index
      %swap3A_42 = arith.constant 0 : index
      %swap3A_43 = vector.load %arg6[%swap3A, %swap3A_42] : memref<160x1024xf32, #tpu.memory_space<vmem>>, vector<160x1024xf32>
      tpu.vector_store %arg6[%swap3A, %swap3A_42], %add3A_41 {strides = array<i32>} : memref<160x1024xf32, #tpu.memory_space<vmem>>, vector<160x1024xf32>,
    } else {
    }
    %eq3A_33 = arith.constant 3 : i32
    %eq3A_34 = arith.cmpi eq, %arg1, %eq3A_33 : i32
    %convert_element_type3A_35 = arith.extui %eq3A_34 : i1 to i32
    %cond3A_36 = arith.constant 0 : i32
    %cond3A_37 = arith.cmpi ne, %convert_element_type3A_35, %cond3A_36 : i32
    scf.if %cond3A_37 {
      %get3A_38 = arith.constant 0 : index
      %get3A_39 = arith.constant 0 : index
      %get3A_40 = vector.load %arg6[%get3A_38, %get3A_39] : memref<160x1024xf32, #tpu.memory_space<vmem>>, vector<160x1024xf32>
      %swap3A = arith.constant 0 : index
      %swap3A_41 = arith.constant 0 : index
      %swap3A_42 = vector.load %arg5[%swap3A, %swap3A_41] : memref<160x1024xf32, #tpu.memory_space<vmem>>, vector<160x1024xf32>
      tpu.vector_store %arg5[%swap3A, %swap3A_41], %get3A_40 {strides = array<i32>} : memref<160x1024xf32, #tpu.memory_space<vmem>>, vector<160x1024xf32>,
    } else {
    }
    return
  }
  func.func @transform_0(%arg0: i32, %arg1: i32) -> (i32, i32) {
    %c0_i32 = arith.constant 0 : i32
    %c0_i32_0 = arith.constant 0 : i32
    return %arg0, %c0_i32 : i32, i32
  }
  func.func @transform_1(%arg0: i32, %arg1: i32) -> (i32, i32, i32) {
    %c0_i32 = arith.constant 0 : i32
    %c0_i32_0 = arith.constant 0 : i32
    return %arg0, %c0_i32, %arg1 : i32, i32, i32
  }
  func.func @transform_2(%arg0: i32, %arg1: i32) -> (i32, i32, i32) {
    %c0_i32 = arith.constant 0 : i32
    %c0_i32_0 = arith.constant 0 : i32
    return %arg0, %arg1, %c0_i32 : i32, i32, i32
  }
  func.func @transform_3(%arg0: i32, %arg1: i32) -> (i32, i32) {
    %c0_i32 = arith.constant 0 : i32
    %c0_i32_0 = arith.constant 0 : i32
    return %arg0, %c0_i32 : i32, i32
  }
}

module attributes {stable_mosaic.version = 14 : i64} {
  func.func @_final_body(%arg0: i32, %arg1: memref<256x1024xf32, #tpu.memory_space<vmem>>, %arg2: memref<256x1024xf32, #tpu.memory_space<vmem>>, %arg3: memref<256x1024xf32, #tpu.memory_space<vmem>>, %arg4: memref<256x1xi32, #tpu.memory_space<vmem>>, %arg5: memref<256x1024xf32, #tpu.memory_space<vmem>>) attributes {dimension_semantics = [#tpu.dimension_semantics<arbitrary>], iteration_bounds = array<i64: 8>, scalar_prefetch = 0 : i64, scratch_operands = 0 : i64, tpu.core_type = #tpu.core_type<tc>, window_params = [{transform_indices = @transform_0, window_bounds = array<i64: 256, 1024>}, {transform_indices = @transform_1, window_bounds = array<i64: 256, 1024>}, {transform_indices = @transform_2, window_bounds = array<i64: 256, 1024>}, {transform_indices = @transform_3, window_bounds = array<i64: 256, 1>}, {transform_indices = @transform_4, window_bounds = array<i64: 256, 1024>}]} {
    %get3A = arith.constant 0 : index
    %get3A_0 = arith.constant 0 : index
    %get3A_1 = vector.load %arg4[%get3A, %get3A_0] : memref<256x1xi32, #tpu.memory_space<vmem>>, vector<256x1xi32>
    %gt3A = arith.constant 0 : i32
    %gt3A_2 = vector.broadcast %gt3A : i32 to vector<256x1xi32>
    %gt3A_3 = arith.cmpi sgt, %get3A_1, %gt3A_2 : vector<256x1xi32>
    %get3A_4 = arith.constant 0 : index
    %get3A_5 = arith.constant 0 : index
    %get3A_6 = vector.load %arg1[%get3A_4, %get3A_5] : memref<256x1024xf32, #tpu.memory_space<vmem>>, vector<256x1024xf32>
    %get3A_7 = arith.constant 0 : index
    %get3A_8 = arith.constant 0 : index
    %get3A_9 = vector.load %arg2[%get3A_7, %get3A_8] : memref<256x1024xf32, #tpu.memory_space<vmem>>, vector<256x1024xf32>
    %get3A_10 = arith.constant 0 : index
    %get3A_11 = arith.constant 0 : index
    %get3A_12 = vector.load %arg3[%get3A_10, %get3A_11] : memref<256x1024xf32, #tpu.memory_space<vmem>>, vector<256x1024xf32>
    %broadcast_in_dim3A = vector.shape_cast %gt3A_3 : vector<256x1xi1> to vector<256x1xi1>
    %broadcast_in_dim3A_13 = vector.broadcast %broadcast_in_dim3A : vector<256x1xi1> to vector<256x1024xi1>
    %select_n3A = arith.select %broadcast_in_dim3A_13, %get3A_9, %get3A_12 : vector<256x1024xi1>, vector<256x1024xf32>
    %add3A = arith.addf %get3A_6, %select_n3A : vector<256x1024xf32>
    %swap3A = arith.constant 0 : index
    %swap3A_14 = arith.constant 0 : index
    %swap3A_15 = vector.load %arg5[%swap3A, %swap3A_14] : memref<256x1024xf32, #tpu.memory_space<vmem>>, vector<256x1024xf32>
    tpu.vector_store %arg5[%swap3A, %swap3A_14], %add3A {strides = array<i32>} : memref<256x1024xf32, #tpu.memory_space<vmem>>, vector<256x1024xf32>,
    return
  }
  func.func @transform_0(%arg0: i32) -> (i32, i32) {
    %c0_i32 = arith.constant 0 : i32
    %c0_i32_0 = arith.constant 0 : i32
    return %arg0, %c0_i32 : i32, i32
  }
  func.func @transform_1(%arg0: i32) -> (i32, i32) {
    %c0_i32 = arith.constant 0 : i32
    %c0_i32_0 = arith.constant 0 : i32
    return %arg0, %c0_i32 : i32, i32
  }
  func.func @transform_2(%arg0: i32) -> (i32, i32) {
    %c0_i32 = arith.constant 0 : i32
    %c0_i32_0 = arith.constant 0 : i32
    return %arg0, %c0_i32 : i32, i32
  }
  func.func @transform_3(%arg0: i32) -> (i32, i32) {
    %c0_i32 = arith.constant 0 : i32
    %c0_i32_0 = arith.constant 0 : i32
    return %arg0, %c0_i32 : i32, i32
  }
  func.func @transform_4(%arg0: i32) -> (i32, i32) {
    %c0_i32 = arith.constant 0 : i32
    %c0_i32_0 = arith.constant 0 : i32
    return %arg0, %c0_i32 : i32, i32
  }
}

</mosaic_0001>

<sc_bundles>
// kernel: kernel.11.cloned.1.call-start
scs
__scs_entry_jumppad:
0x0: {  	(pc) =	sbr.rel $0x88, $3  }
0x1: {  	(tag) =	ssettag $0x0;
	lr =	simm.s32 $0x1  }
0x2: {  	[smem:$0x3F8E] =	sst lr;
	_ =	strace $0xD0000000  }
0x3: {  	_ = 	snop  }
0x4: {  	_ = 	snop  }
0x5: {  	_ = 	snop  }
0x6: {  	_ = 	snop  }
0x7: {  	_ = 	snop  }
__scs_overlays_trampoline_lowered:
0x8: {  	[smem:$0x3F9D] =	sst s0  }
0x9: {  	[smem:$0x3F9E] =	sst s1  }
0xa: {  	[smem:$0x3F9F] =	sst s2  }
0xb: {  	[smem:$0x3FA0] =	sst s3  }
0xc: {  	[smem:$0x3FA1] =	sst s4  }
0xd: {  	[smem:$0x3FA2] =	sst s5  }
0xe: {  	[smem:$0x3FA3] =	sst s6  }
0xf: {  	[smem:$0x3FA4] =	sst s7  }
0x10: {  	[smem:$0x3FA5] =	sst s8  }
0x11: {  	[smem:$0x3FA6] =	sst s9;
	s0 =	simm.s32 @!p0 $0x0  }
0x12: {  	s1 =	sld [smem:$0x3F8C];
	s0 =	simm.s32 @p0 $0x1  }
0x13: {  	[smem:$0x3FA7] =	sst s0;
	s0 =	simm.s32 @!p1 $0x0  }
0x14: {  	s2 =	sld [smem:$0x3F8B];
	s0 =	simm.s32 @p1 $0x1  }
0x15: {  	[smem:$0x3FA8] =	sst s0;
	s0 =	simm.s32 @!p2 $0x0  }
0x16: {  	s3 =	sld [smem:$0x3FDB];
	s0 =	simm.s32 @p2 $0x1  }
0x17: {  	s4 =	simm.s32 $0x1BF5;
	[smem:$0x3FAA] =	sst s0  }
0x18: {  	s0 =	sld [smem:$0x3F8D];
	_ =	swait.ge [sflag:s4], $0x0  }
0x19: {  	s7 =	sld [smem:$0x3F8E]  }
0x1a: {  	s8 =	sadd.s32 $0xFFFFE003, lr  }
0x1b: {  	s9 =	sadd.s32 $0xFFFFFEF7, lr;
	s5 =	simm.s32 $0xFFFFFFFF;
	p2 =	slt.u32 s8, $0xFFFFF086  }
0x1c: {  	p1 =	slt.u32 s9, $0xF7A;
	s5 =	simm.s32 @!p2 $0x0  }
0x1d: {  	s5 =	simm.s32 @p1 $0x1;
	p0 =	seq.s32 s7, s2  }
0x1e: {  	s7 =	smul.u32 @!p0 $0xF7A, s2;
	p2 =	seq.s32 @!p0 s5, $0x0  }
0x1f: {  	s9 =	smul.u32 $0xF7A, s1;
	s8 =	simm.s32 @!p0 $0x1BF5;
	p2 =	por !p2, p0  }
0x20: {  	[sflag:s8] =	ssyncset.s32 @!p0 $0xFFFFF086;
	s6 =	sadd.s32 @!p0 s3, s7;
	s7 =	simm.s32 @!p0 $0x108  }
0x21: {  	s3 =	sadd.s32 s3, s9;
	s6 =	sadd.s32 @!p0 $0x88, s6;
	s7 =	simm.s32 @p2 $0x1082  }
0x22: {  	[simem:s7], [sflag:s8] =	dma.local @!p0 [hbm:s6], $0xF7A  }
0x23: {  	s9 =	sor.u32 $0xD0000000, s2;
	s6 =	simm.s32 $0x108;
	_ =	swait.ge @!p0 [sflag:s8], $0x0  }
0x24: {  	s3 =	sadd.s32 $0x88, s3;
	s6 =	simm.s32 @!p1 $0x1082;
	[sflag:s4] =	ssyncset.s32 $0xFFFFF086  }
0x25: {  	[simem:s6], [sflag:s4] =	dma.local [hbm:s3], $0xF7A  }
0x26: {  	[smem:$0x3F8E] =	sst s1;
	(tag) =	ssettag s2;
	_ =	strace s9  }
0x27: {  	s1 =	sld [smem:$0x3F9E]  }
0x28: {  	s2 =	sld [smem:$0x3F9F]  }
0x29: {  	s4 =	sld [smem:$0x3FA1]  }
0x2a: {  	p0 =	seq.s32 s5, $0x0;
	s5 =	sld [smem:$0x3FA2]  }
0x2b: {  	s6 =	sld [smem:$0x3FA3]  }
0x2c: {  	s7 =	sld [smem:$0x3FA4]  }
0x2d: {  	s3 =	simm.s32 $0x108;
	s8 =	sld [smem:$0x3FA5]  }
0x2e: {  	s3 =	simm.s32 @!p0 $0x1082;
	s9 =	sld [smem:$0x3FA6]  }
0x2f: {  	lr =	sadd.s32 s0, s3;
	s0 =	sld [smem:$0x3F9D]  }
0x30: {  	s3 =	sld [smem:$0x3FA0]  }
0x31: {  	[smem:$0x3FA9] =	sst s10  }
0x32: {  	s10 =	sld [smem:$0x3FA7];
	_ =	sdelay $0x3  }
0x33: {  	p0 =	seq.s32 s10, $0x1;
	s10 =	sld [smem:$0x3FA9];
	_ =	sdelay $0x3  }
0x34: {  	[smem:$0x3FA9] =	sst s10  }
0x35: {  	s10 =	sld [smem:$0x3FA8];
	_ =	sdelay $0x3  }
0x36: {  	p1 =	seq.s32 s10, $0x1;
	s10 =	sld [smem:$0x3FA9];
	_ =	sdelay $0x3  }
0x37: {  	[smem:$0x3FA9] =	sst s10  }
0x38: {  	s10 =	sld [smem:$0x3FAA]  }
0x39: {  	_ = 	snop;
	(pc) =	sbr.ind lr, $3  }
0x3a: {  	_ = 	snop  }
0x3b: {  	_ = 	snop  }
0x3c: {  	p2 =	seq.s32 s10, $0x1;
	s10 =	sld [smem:$0x3FA9]  }
0x3d: {  	_ =	shalt  }
0x3e: {  	_ =	shalt  }
0x3f: {  	_ =	shalt  }
0x40: {  	_ =	shalt  }
0x41: {  	_ =	shalt  }
0x42: {  	_ =	shalt  }
0x43: {  	_ =	shalt  }
0x44: {  	_ =	shalt  }
0x45: {  	_ =	shalt  }
0x46: {  	_ =	shalt  }
0x47: {  	_ =	shalt  }
0x48: {  	_ =	shalt  }
0x49: {  	_ =	shalt  }
0x4a: {  	_ =	shalt  }
0x4b: {  	_ =	shalt  }
0x4c: {  	_ =	shalt  }
0x4d: {  	_ =	shalt  }
0x4e: {  	_ =	shalt  }
0x4f: {  	_ =	shalt  }
0x50: {  	_ =	shalt  }
0x51: {  	_ =	shalt  }
0x52: {  	_ =	shalt  }
0x53: {  	_ =	shalt  }
0x54: {  	_ =	shalt  }
0x55: {  	_ =	shalt  }
0x56: {  	_ =	shalt  }
0x57: {  	_ =	shalt  }
0x58: {  	_ =	shalt  }
0x59: {  	_ =	shalt  }
0x5a: {  	_ =	shalt  }
0x5b: {  	_ =	shalt  }
0x5c: {  	_ =	shalt  }
0x5d: {  	_ =	shalt  }
0x5e: {  	_ =	shalt  }
0x5f: {  	_ =	shalt  }
0x60: {  	_ =	shalt  }
0x61: {  	_ =	shalt  }
0x62: {  	_ =	shalt  }
0x63: {  	_ =	shalt  }
0x64: {  	_ =	shalt  }
0x65: {  	_ =	shalt  }
0x66: {  	_ =	shalt  }
0x67: {  	_ =	shalt  }
0x68: {  	_ =	shalt  }
0x69: {  	_ =	shalt  }
0x6a: {  	_ =	shalt  }
0x6b: {  	_ =	shalt  }
0x6c: {  	_ =	shalt  }
0x6d: {  	_ =	shalt  }
0x6e: {  	_ =	shalt  }
0x6f: {  	_ =	shalt  }
0x70: {  	_ =	shalt  }
0x71: {  	_ =	shalt  }
0x72: {  	_ =	shalt  }
0x73: {  	_ =	shalt  }
0x74: {  	_ =	shalt  }
0x75: {  	_ =	shalt  }
0x76: {  	_ =	shalt  }
0x77: {  	_ =	shalt  }
0x78: {  	_ =	shalt  }
0x79: {  	_ =	shalt  }
0x7a: {  	_ =	shalt  }
0x7b: {  	_ =	shalt  }
0x7c: {  	_ =	shalt  }
0x7d: {  	_ =	shalt  }
0x7e: {  	_ =	shalt  }
0x7f: {  	_ =	shalt  }
0x80: {  	_ =	shalt  }
0x81: {  	_ =	shalt  }
0x82: {  	_ =	shalt  }
0x83: {  	_ =	shalt  }
0x84: {  	_ =	shalt  }
0x85: {  	_ =	shalt  }
0x86: {  	_ =	shalt  }
0x87: {  	_ =	shalt  }
.Lfunc_end0:
.L_simem_size_0:
called_computation_lowered:
.L_overlay_start_0:
0x88: {  	s2 =	sld [smem:$0x3FD9]  }
0x89: {  	s3 =	sld [smem:$0x3FFE];
	_ =	sdelay $0x1  }
0x8a: {  	s1 =	srdreg.scid  }
0x8b: {  	s0 =	sand.u32 $0x1, s1  }
0x8c: {  	s14 =	sshll.u32 s0, $0xA;
	s2 =	sadd.s32 s3, s2  }
0x8d: {  	s2 =	sadd.s32 s2, s14  }
0x8e: {  	[smem:$0x3FB5] =	sst s2  }
0x8f: {  	_ = 	snop  }
0x90: {  	s2 =	sld [smem:$0x3FD0];
	_ =	sdelay $0x2  }
0x91: {  	s15 =	simm.s32 $0xA;
	s4 =	simm.s32 $0x10  }
0x92: {  	[smem:s4], [sflag:s15] =	dma.local [hbm:s2], $0x1  }
0x93: {  	_ =	swait.eq [sflag:s15], $0x1  }
0x94: {  	[sflag:s15] =	ssyncset.done $0x0  }
0x95: {  	[sflag:s15] =	ssyncadd.s32 $0xFFFFFFFF  }
0x96: {  	s16 =	sld [smem:$0x11];
	(tm) =	ssettm $0x1  }
0x97: {  	s17 =	sld [smem:$0x3FFB];
	_ =	sdelay $0x3  }
0x98: {  	_ =	strace s17  }
0x99: {  	s3 =	sld [smem:$0x3FFC];
	_ =	sdelay $0x3  }
0x9a: {  	_ =	strace s3  }
0x9b: {  	s3 =	sld [smem:$0x3FFD];
	_ =	sdelay $0x3  }
0x9c: {  	_ =	strace s3  }
0x9d: {  	_ =	strace $0x8FFFFFFF  }
0x9e: {  	s18 =	sld [smem:$0x3FDB];
	_ =	sdelay $0x1  }
0x9f: {  	s19 =	simm.s32 $_scs_section_size  }
0xa0: {  	s5 =	simm.s32 $_size__tile_overlayer_lowered;
	s6 =	simm.s32 $_tile_overlayer_lowered  }
0xa1: {  	s22 =	simm.s32 $0x1BFF;
	s21 =	sshll.u32 s6, $0x1;
	s3 =	sadd.s32 s19, s18  }
0xa2: {  	s7 =	simm.s32 $0x0;
	s20 =	sshll.u32 s5, $0x1;
	s5 =	sadd.s32 s21, s3  }
0xa3: {  	[timem:s7], [sflag:s22] =	dma.local [hbm:s5], s20  }
0xa4: {  	_ =	swait.ge [sflag:s22], s20  }
0xa5: {  	s4 =	ssub.s32 $0x0, s20;
	[sflag:s22] =	ssyncset.done $0x0  }
0xa6: {  	[sflag:s22] =	ssyncadd.s32 s4;
	_ =	sdelay $0x1  }
0xa7: {  	s23 =	simm.s32 $0x1B8B  }
0xa8: {  	_ =	swait.ge [sflag:s23], $0x1  }
0xa9: {  	[sflag:s23] =	ssyncset.done $0x0  }
0xaa: {  	s25 =	simm.s32 $0x1B8E;
	s24 =	sld [smem:$0x3FFE];
	[sflag:s23] =	ssyncadd.s32 $0xFFFFFFFF  }
0xab: {  	s26 =	simm.s32 $execute0_lowered;
	[smem:$0x3FD2] =	sst s25  }
0xac: {  	s5 =	sshll.u32 s26, $0x1;
	_ =	strace $0x80000046;
	[dreg:$0x1] =	wrdreg $0xFFFFFFFF  }
0xad: {  	s28 =	simm.s32 $_size_execute0_lowered;
	s3 =	sadd.s32 s3, s5;
	[dreg:$0x0] =	wrdreg $0x0  }
0xae: {  	s5 =	sshll.u32 s28, $0x1;
	[dreg:$0x2] =	wrdreg s3  }
0xaf: {  	[dreg:$0x3] =	wrdreg s5  }
0xb0: {  	[dreg:$0x4] =	wrdreg $0xC0  }
0xb1: {  	_ =	task [dreg:s7], $0x5FFFF  }
0xb2: {  	[dreg:$0x1] =	wrdreg $0xFFFFFFFF  }
0xb3: {  	[dreg:$0x0] =	wrdreg $0x60  }
0xb4: {  	[dreg:$0x2] =	wrdreg s24  }
0xb5: {  	[dreg:$0x3] =	wrdreg s16  }
0xb6: {  	[dreg:$0x4] =	wrdreg $0x9  }
0xb7: {  	_ =	task.clear_ibuf [dreg:s7], $0x5FFFF;
	_ =	strace $0x90000046  }
0xb8: {  	s29 =	simm.s32 $0x9;
	_ =	strace $0x80000048  }
0xb9: {  	_ =	swait.ge [sflag:s29], $0x1  }
0xba: {  	[sflag:s29] =	ssyncadd.s32 $0xFFFFFFFF  }
0xbb: {  	_ =	strace $0x90000048  }
0xbc: {  	_ =	sfence  }
0xbd: {  	s30 =	sld [smem:$0x0];
	_ =	sdelay $0x2  }
0xbe: {  	s31 =	sshll.u32 s1, $0xD;
	s1 =	sshrl.u32 s1, $0x2  }
0xbf: {  	s3 =	sand.u32 $0x4000, s31;
	s1 =	sadd.s32 s1, s30  }
0xc0: {  	s0 =	sor.u32 s3, s0;
	s1 =	sshll.u32 s1, $0x11  }
0xc1: {  	s0 =	sor.u32 s1, s0  }
0xc2: {  	s0 =	sadd.s32 $0x8F2B, s0  }
0xc3: {  	[sflag:s0] =	ssyncadd.remote.s32 $0x1  }
0xc4: {  	_ =	sfence.sel $0xFFFF  }
0xc5: {  	[dreg:$0x0] =	wrdreg $0xFFFFFFFF;
	(pc) =	sbr.abs _section_cstart, $3  }
0xc6: {  	[dreg:$0x1] =	wrdreg $0xFFFFFFFF  }
0xc7: {  	_ =	task.clear_ibuf [dreg:s7], $0x2FFFF;
	_ =	strace $0x9FFFFFFF  }
0xc8: {  	(tm) =	ssettm $0x7FFFFFFF  }
0xc9: {  	_ =	shalt  }
tec
execute0_lowered:
.L_overlay_start_1:
0x0: {  	(tag) =	ssettag $0x1  }
0x1: {  	s1 =	srdreg.scid;
	s6 =	rddreg [dreg:$0x0]  }
0x2: {  	s0 =	stileid.u32;
	s3 =	rddreg [dreg:$0x1];
	s2 =	simm.s32 $0x0  }
0x3: {  	s17 =	simm.s32 $0x880;
	s18 =	simm.s32 $0x1080;
	s19 =	simm.s32 $0x1880  }
0x4: {  	s20 =	simm.s32 $0x2080;
	s22 =	simm.s32 $0x2880;
	[smem:$0x7FF] =	sst s2  }
0x5: {  	s23 =	simm.s32 $0x3080;
	_ =	strace $0x80000047;
	[dreg:$0x5] =	wrdreg s17  }
0x6: {  	s7 =	simm.s32 $0x3880;
	s24 =	simm.s32 $0x4080;
	[dreg:$0x6] =	wrdreg s18  }
0x7: {  	s8 =	simm.s32 $0x4880;
	s25 =	simm.s32 $0x5080;
	[dreg:$0x7] =	wrdreg s19  }
0x8: {  	s26 =	simm.s32 $0x5880;
	s9 =	simm.s32 $0x80;
	[dreg:$0x8] =	wrdreg s20  }
0x9: {  	s10 =	simm.s32 $0x1;
	s12 =	simm.s32 $0x6880;
	[dreg:$0x9] =	wrdreg s22  }
0xa: {  	s13 =	simm.s32 $0x7080;
	s14 =	simm.s32 $0x7880;
	[dreg:$0xa] =	wrdreg s23  }
0xb: {  	s15 =	simm.s32 $0x8080;
	s28 =	simm.s32 $0xE080;
	[dreg:$0xb] =	wrdreg s7  }
0xc: {  	s29 =	simm.s32 $0xE880;
	s30 =	simm.s32 $0xF080;
	[dreg:$0xc] =	wrdreg s24  }
0xd: {  	s31 =	simm.s32 $0xF880;
	s1 =	sand.u32 $0x1, s1;
	[dreg:$0xd] =	wrdreg s8  }
0xe: {  	s4 =	sshll.u32 s0, $0x7;
	s5 =	sshll.u32 s1, $0x6;
	[dreg:$0xe] =	wrdreg s25  }
0xf: {  	s1 =	ssub.s32 $0x2, s1;
	s8 =	simm.s32 $0x3;
	[dreg:$0xf] =	wrdreg s26  }
0x10: {  	s17 =	simm.s32 $0x9080;
	s18 =	simm.s32 $0x9880;
	s19 =	simm.s32 $0xA080  }
0x11: {  	s20 =	simm.s32 $0xA880;
	s22 =	simm.s32 $0xB880;
	s23 =	simm.s32 $0xC080  }
0x12: {  	s24 =	simm.s32 $0xC880;
	s25 =	simm.s32 $0xD080;
	s4 =	sor.u32 s5, s4  }
0x13: {  	s26 =	simm.s32 $0xD880;
	s21 =	sshrl.u32 s1, $0x1;
	s5 =	sshll.u32 s4, $0x7  }
0x14: {  	s4 =	sshrl.u32 s4, $0x3;
	s1 =	ssub.s32 s1, s21;
	s21 =	simm.s32 $0xB080  }
0x15: {  	s5 =	sadd.s32 s5, s6;
	s3 =	sadd.s32 s3, s4;
	s4 =	sadd.s32 $0x14B00, s6  }
0x16: {  	v2 =	vlaneseq.u32;
	s7 =	smax.u32 s1, $0x1;
	s1 =	simm.s32 $0x2;
	[dreg:$0x3] =	wrdreg s3  }
0x17: {  	vm0 =	vmmov $0xffff;
	v1 =	vshrl.u32 v2, $0x3;
	s16 =	sadd.s32 $0x84A00, s5;
	s3 =	sadd.s32 $0x14A00, s6;
	s5 =	sadd.s32 $0x14C00, s6  }
0x18: {  	v0 =	vand.u32 $0x7, v2;
	v2 =	vor.u32 $0x8, v2;
	v1 =	vmul.u32 $0x8, v1;
	s6 =	sadd.s32 $0x14D00, s6;
	[dreg:$0x4] =	wrdreg s16;
	s16 =	simm.s32 $0x8880  }
.LBB2_1:
0x19: {  	s0 =	rddreg [dreg:$0x3]  }
0x1a: {  	[tilespmem:s2], [sflag:$0x3] =	stream.linear.gather [hbm4b:s0+s2], $0x40, $0x38;
	[tilespmem:$0x10080] =	vst v63  }
0x1b: {  	_ =	swait.ge [sflag:s8], $0x40  }
0x1c: {  	[sflag:s8] =	ssyncset.done $0x0  }
0x1d: {  	s11 =	rddreg [dreg:$0x4];
	[sflag:s8] =	ssyncadd.s32 $0xFFFFFFC0  }
0x1e: {  	[tilespmem:s9], [sflag:$0x1] =	stream.linear.gather [hbm4b:s11+s2], $0x10000, $0x38;
	[tilespmem:$0x10080] =	vst v63  }
0x1f: {  	_ =	swait.ge [sflag:s10], $0x10000  }
0x20: {  	[sflag:s10] =	ssyncset.done $0x0  }
0x21: {  	[sflag:s10] =	ssyncadd.s32 $0xFFFF0000  }
0x22: {  	v3 =	vld [tilespmem:$0x0];
	_ =	sdelay $0x4  }
0x23: {  	v4 =	vshll.u32 v3, $0x3  }
0x24: {  	v3 =	vand.u32 $0x7, v3;
	v4 =	vand.u32 $0xFFFFFFC0, v4  }
0x25: {  	v3 =	vor.u32 v3, v4  }
0x26: {  	v4 =	vperm.xlane v3, v0;
	_ =	sdelay $0x1  }
0x27: {  	v4 =	vadd.s32 v1, v4;
	_ =	sdelay $0x4  }
0x28: {  	[hbm4b:s3+s2] =	stream.indirect_vreg.scatter [tilespmem:s9], [sflag:$0x2], $0x80, v4, vm0, $0xb8;
	[tilespmem:$0x10080] =	vst v63  }
0x29: {  	s0 =	rddreg [dreg:$0x5];
	v3 =	vperm.xlane v3, v2  }
0x2a: {  	[hbm4b:s4+s2] =	stream.indirect_vreg.scatter [tilespmem:s0], [sflag:$0x2], $0x80, v4, vm0, $0xb8;
	[tilespmem:$0x10080] =	vst v63  }
0x2b: {  	s11 =	rddreg [dreg:$0x6];
	v3 =	vadd.s32 v1, v3  }
0x2c: {  	[hbm4b:s5+s2] =	stream.indirect_vreg.scatter [tilespmem:s11], [sflag:$0x2], $0x80, v4, vm0, $0xb8;
	[tilespmem:$0x10080] =	vst v63  }
0x2d: {  	s0 =	rddreg [dreg:$0x7]  }
0x2e: {  	[hbm4b:s6+s2] =	stream.indirect_vreg.scatter [tilespmem:s0], [sflag:$0x2], $0x80, v4, vm0, $0xb8;
	[tilespmem:$0x10080] =	vst v63  }
0x2f: {  	s11 =	rddreg [dreg:$0x8]  }
0x30: {  	[hbm4b:s3+s2] =	stream.indirect_vreg.scatter [tilespmem:s11], [sflag:$0x2], $0x80, v3, vm0, $0xb8;
	[tilespmem:$0x10080] =	vst v63  }
0x31: {  	s0 =	rddreg [dreg:$0x9]  }
0x32: {  	[hbm4b:s4+s2] =	stream.indirect_vreg.scatter [tilespmem:s0], [sflag:$0x2], $0x80, v3, vm0, $0xb8;
	[tilespmem:$0x10080] =	vst v63  }
0x33: {  	s11 =	rddreg [dreg:$0xa]  }
0x34: {  	[hbm4b:s5+s2] =	stream.indirect_vreg.scatter [tilespmem:s11], [sflag:$0x2], $0x80, v3, vm0, $0xb8;
	[tilespmem:$0x10080] =	vst v63  }
0x35: {  	s0 =	rddreg [dreg:$0xb]  }
0x36: {  	[hbm4b:s6+s2] =	stream.indirect_vreg.scatter [tilespmem:s0], [sflag:$0x2], $0x80, v3, vm0, $0xb8;
	[tilespmem:$0x10080] =	vst v63  }
0x37: {  	v3 =	vld [tilespmem:$0x10];
	_ =	sdelay $0x4  }
0x38: {  	v61 =	vshll.u32 v3, $0x3  }
0x39: {  	v3 =	vand.u32 $0x7, v3;
	v4 =	vand.u32 $0xFFFFFFC0, v61  }
0x3a: {  	v3 =	vor.u32 v3, v4  }
0x3b: {  	v4 =	vperm.xlane v3, v0;
	_ =	sdelay $0x1  }
0x3c: {  	v4 =	vadd.s32 v1, v4;
	_ =	sdelay $0x3  }
0x3d: {  	s0 =	rddreg [dreg:$0xc]  }
0x3e: {  	[hbm4b:s3+s2] =	stream.indirect_vreg.scatter [tilespmem:s0], [sflag:$0x2], $0x80, v4, vm0, $0xb8;
	[tilespmem:$0x10080] =	vst v63  }
0x3f: {  	s11 =	rddreg [dreg:$0xd];
	v3 =	vperm.xlane v3, v2  }
0x40: {  	[hbm4b:s4+s2] =	stream.indirect_vreg.scatter [tilespmem:s11], [sflag:$0x2], $0x80, v4, vm0, $0xb8;
	[tilespmem:$0x10080] =	vst v63  }
0x41: {  	v3 =	vadd.s32 v1, v3;
	s0 =	rddreg [dreg:$0xe]  }
0x42: {  	[hbm4b:s5+s2] =	stream.indirect_vreg.scatter [tilespmem:s0], [sflag:$0x2], $0x80, v4, vm0, $0xb8;
	[tilespmem:$0x10080] =	vst v63  }
0x43: {  	s11 =	rddreg [dreg:$0xf]  }
0x44: {  	[hbm4b:s6+s2] =	stream.indirect_vreg.scatter [tilespmem:s11], [sflag:$0x2], $0x80, v4, vm0, $0xb8;
	[tilespmem:$0x10080] =	vst v63  }
0x45: {  	s11 =	simm.s32 $0x6080  }
0x46: {  	[hbm4b:s3+s2] =	stream.indirect_vreg.scatter [tilespmem:s11], [sflag:$0x2], $0x80, v3, vm0, $0xb8;
	[tilespmem:$0x10080] =	vst v63  }
0x47: {  	_ = 	snop  }
0x48: {  	[hbm4b:s4+s2] =	stream.indirect_vreg.scatter [tilespmem:s12], [sflag:$0x2], $0x80, v3, vm0, $0xb8;
	[tilespmem:$0x10080] =	vst v63  }
0x49: {  	_ = 	snop  }
0x4a: {  	[hbm4b:s5+s2] =	stream.indirect_vreg.scatter [tilespmem:s13], [sflag:$0x2], $0x80, v3, vm0, $0xb8;
	[tilespmem:$0x10080] =	vst v63  }
0x4b: {  	_ = 	snop  }
0x4c: {  	[hbm4b:s6+s2] =	stream.indirect_vreg.scatter [tilespmem:s14], [sflag:$0x2], $0x80, v3, vm0, $0xb8;
	[tilespmem:$0x10080] =	vst v63  }
0x4d: {  	v3 =	vld [tilespmem:$0x20];
	_ =	sdelay $0x4  }
0x4e: {  	v62 =	vshll.u32 v3, $0x3  }
0x4f: {  	v3 =	vand.u32 $0x7, v3;
	v4 =	vand.u32 $0xFFFFFFC0, v62  }
0x50: {  	v3 =	vor.u32 v3, v4  }
0x51: {  	v4 =	vperm.xlane v3, v0;
	_ =	sdelay $0x1  }
0x52: {  	v4 =	vadd.s32 v1, v4;
	_ =	sdelay $0x4  }
0x53: {  	[hbm4b:s3+s2] =	stream.indirect_vreg.scatter [tilespmem:s15], [sflag:$0x2], $0x80, v4, vm0, $0xb8;
	[tilespmem:$0x10080] =	vst v63  }
0x54: {  	v3 =	vperm.xlane v3, v2  }
0x55: {  	[hbm4b:s4+s2] =	stream.indirect_vreg.scatter [tilespmem:s16], [sflag:$0x2], $0x80, v4, vm0, $0xb8;
	[tilespmem:$0x10080] =	vst v63  }
0x56: {  	v3 =	vadd.s32 v1, v3  }
0x57: {  	[hbm4b:s5+s2] =	stream.indirect_vreg.scatter [tilespmem:s17], [sflag:$0x2], $0x80, v4, vm0, $0xb8;
	[tilespmem:$0x10080] =	vst v63  }
0x58: {  	_ = 	snop  }
0x59: {  	[hbm4b:s6+s2] =	stream.indirect_vreg.scatter [tilespmem:s18], [sflag:$0x2], $0x80, v4, vm0, $0xb8;
	[tilespmem:$0x10080] =	vst v63  }
0x5a: {  	_ = 	snop  }
0x5b: {  	[hbm4b:s3+s2] =	stream.indirect_vreg.scatter [tilespmem:s19], [sflag:$0x2], $0x80, v3, vm0, $0xb8;
	[tilespmem:$0x10080] =	vst v63  }
0x5c: {  	_ = 	snop  }
0x5d: {  	[hbm4b:s4+s2] =	stream.indirect_vreg.scatter [tilespmem:s20], [sflag:$0x2], $0x80, v3, vm0, $0xb8;
	[tilespmem:$0x10080] =	vst v63  }
0x5e: {  	_ = 	snop  }
0x5f: {  	[hbm4b:s5+s2] =	stream.indirect_vreg.scatter [tilespmem:s21], [sflag:$0x2], $0x80, v3, vm0, $0xb8;
	[tilespmem:$0x10080] =	vst v63  }
0x60: {  	_ = 	snop  }
0x61: {  	[hbm4b:s6+s2] =	stream.indirect_vreg.scatter [tilespmem:s22], [sflag:$0x2], $0x80, v3, vm0, $0xb8;
	[tilespmem:$0x10080] =	vst v63  }
0x62: {  	v3 =	vld [tilespmem:$0x30];
	_ =	sdelay $0x4  }
0x63: {  	v63 =	vshll.u32 v3, $0x3  }
0x64: {  	v3 =	vand.u32 $0x7, v3;
	v4 =	vand.u32 $0xFFFFFFC0, v63  }
0x65: {  	v3 =	vor.u32 v3, v4  }
0x66: {  	v4 =	vperm.xlane v3, v0;
	_ =	sdelay $0x1  }
0x67: {  	v4 =	vadd.s32 v1, v4;
	_ =	sdelay $0x4  }
0x68: {  	[hbm4b:s3+s2] =	stream.indirect_vreg.scatter [tilespmem:s23], [sflag:$0x2], $0x80, v4, vm0, $0xb8;
	[tilespmem:$0x10080] =	vst v63  }
0x69: {  	v3 =	vperm.xlane v3, v2  }
0x6a: {  	[hbm4b:s4+s2] =	stream.indirect_vreg.scatter [tilespmem:s24], [sflag:$0x2], $0x80, v4, vm0, $0xb8;
	[tilespmem:$0x10080] =	vst v63  }
0x6b: {  	v3 =	vadd.s32 v1, v3  }
0x6c: {  	[hbm4b:s5+s2] =	stream.indirect_vreg.scatter [tilespmem:s25], [sflag:$0x2], $0x80, v4, vm0, $0xb8;
	[tilespmem:$0x10080] =	vst v63  }
0x6d: {  	_ = 	snop  }
0x6e: {  	[hbm4b:s6+s2] =	stream.indirect_vreg.scatter [tilespmem:s26], [sflag:$0x2], $0x80, v4, vm0, $0xb8;
	[tilespmem:$0x10080] =	vst v63  }
0x6f: {  	_ = 	snop  }
0x70: {  	[hbm4b:s3+s2] =	stream.indirect_vreg.scatter [tilespmem:s28], [sflag:$0x2], $0x80, v3, vm0, $0xb8;
	[tilespmem:$0x10080] =	vst v63  }
0x71: {  	_ = 	snop  }
0x72: {  	[hbm4b:s4+s2] =	stream.indirect_vreg.scatter [tilespmem:s29], [sflag:$0x2], $0x80, v3, vm0, $0xb8;
	[tilespmem:$0x10080] =	vst v63  }
0x73: {  	p0 =	sne.s32 s7, $0x1  }
0x74: {  	[hbm4b:s5+s2] =	stream.indirect_vreg.scatter [tilespmem:s30], [sflag:$0x2], $0x80, v3, vm0, $0xb8;
	[tilespmem:$0x10080] =	vst v63  }
.Ltmp0:
0x75: {  	_ = 	snop;
	(pc) =	sbr.rel @p0 .LBB2_1-.Ltmp0, $4  }
0x76: {  	[hbm4b:s6+s2] =	stream.indirect_vreg.scatter [tilespmem:s31], [sflag:$0x2], $0x80, v3, vm0, $0xb8;
	[tilespmem:$0x10080] =	vst v63  }
0x77: {  	_ =	swait.ge [sflag:s1], $0x10000  }
0x78: {  	[sflag:s1] =	ssyncset.done $0x0  }
0x79: {  	s7 =	sadd.s32 $0xFFFFFFFF, s7;
	[sflag:s1] =	ssyncadd.s32 $0xFFFF0000  }
0x7a: {  	_ =	sfence.sel $0x180000  }
0x7b: {  	[bflag:$0x0] =	sbarrier.arrive $0xFFFF  }
0x7c: {  	_ =	strace $0x90000047  }
0x7d: {  	s0 =	stileid.u32;
	[bflag:$0x2] =	sbarrier.arrive $0xFFFF  }
0x7e: {  	p0 =	sne.s32 s0, $0x0;
	s0 =	rddreg [dreg:$0x2]  }
0x7f: {  	s0 =	sadd.s32 @!p0 $0x100000, s0  }
0x80: {  	[sflag:s0] =	ssyncadd.tile.s32 @!p0 $0x1;
	_ =	shalt  }
.Lfunc_end2:
_tile_overlayer_lowered:
.L_overlay_start_2:
0x81: {  	(tag) =	ssettag $0x2  }
0x82: {  	s0 =	rddreg [dreg:$0x0];
	s2 =	stileid.u32  }
0x83: {  	s1 =	rddreg [dreg:$0x1];
	p0 =	sne.s32 s2, $0x0  }
0x84: {  	s3 =	rddreg [dreg:$0x2];
	[bflag:$0x3] =	sbarrier.arrive $0xFFFF;
	s2 =	simm.s32 @!p0 $0x1C03  }
0x85: {  	[timem:s3], [sflag:s2] =	dma.local @!p0 [hbm:s0], s1  }
0x86: {  	s0 =	simm.s32 @!p0 $0x3  }
0x87: {  	_ =	swait.ge @!p0 [sflag:s0], s1  }
0x88: {  	s1 =	ssub.s32 @!p0 $0x0, s1;
	[sflag:s0] =	ssyncset.done @!p0 $0x0  }
0x89: {  	[sflag:s0] =	ssyncadd.s32 @!p0 s1  }
0x8a: {  	[bflag:$0x3] =	sbarrier.arrive $0xFFFF  }
0x8b: {  	_ =	shalt  }

// kernel: kernel.14.cloned.1.call-start
scs
__scs_entry_jumppad:
0x0: {  	(pc) =	sbr.rel $0x88, $3  }
0x1: {  	(tag) =	ssettag $0x0;
	lr =	simm.s32 $0x1  }
0x2: {  	[smem:$0x3F8E] =	sst lr;
	_ =	strace $0xD0000000  }
0x3: {  	_ = 	snop  }
0x4: {  	_ = 	snop  }
0x5: {  	_ = 	snop  }
0x6: {  	_ = 	snop  }
0x7: {  	_ = 	snop  }
__scs_overlays_trampoline_lowered:
0x8: {  	[smem:$0x3F9D] =	sst s0  }
0x9: {  	[smem:$0x3F9E] =	sst s1  }
0xa: {  	[smem:$0x3F9F] =	sst s2  }
0xb: {  	[smem:$0x3FA0] =	sst s3  }
0xc: {  	[smem:$0x3FA1] =	sst s4  }
0xd: {  	[smem:$0x3FA2] =	sst s5  }
0xe: {  	[smem:$0x3FA3] =	sst s6  }
0xf: {  	[smem:$0x3FA4] =	sst s7  }
0x10: {  	[smem:$0x3FA5] =	sst s8  }
0x11: {  	[smem:$0x3FA6] =	sst s9;
	s0 =	simm.s32 @!p0 $0x0  }
0x12: {  	s1 =	sld [smem:$0x3F8C];
	s0 =	simm.s32 @p0 $0x1  }
0x13: {  	[smem:$0x3FA7] =	sst s0;
	s0 =	simm.s32 @!p1 $0x0  }
0x14: {  	s2 =	sld [smem:$0x3F8B];
	s0 =	simm.s32 @p1 $0x1  }
0x15: {  	[smem:$0x3FA8] =	sst s0;
	s0 =	simm.s32 @!p2 $0x0  }
0x16: {  	s3 =	sld [smem:$0x3FDB];
	s0 =	simm.s32 @p2 $0x1  }
0x17: {  	s4 =	simm.s32 $0x1BF5;
	[smem:$0x3FAA] =	sst s0  }
0x18: {  	s0 =	sld [smem:$0x3F8D];
	_ =	swait.ge [sflag:s4], $0x0  }
0x19: {  	s7 =	sld [smem:$0x3F8E]  }
0x1a: {  	s8 =	sadd.s32 $0xFFFFE003, lr  }
0x1b: {  	s9 =	sadd.s32 $0xFFFFFEF7, lr;
	s5 =	simm.s32 $0xFFFFFFFF;
	p2 =	slt.u32 s8, $0xFFFFF086  }
0x1c: {  	p1 =	slt.u32 s9, $0xF7A;
	s5 =	simm.s32 @!p2 $0x0  }
0x1d: {  	s5 =	simm.s32 @p1 $0x1;
	p0 =	seq.s32 s7, s2  }
0x1e: {  	s7 =	smul.u32 @!p0 $0xF7A, s2;
	p2 =	seq.s32 @!p0 s5, $0x0  }
0x1f: {  	s9 =	smul.u32 $0xF7A, s1;
	s8 =	simm.s32 @!p0 $0x1BF5;
	p2 =	por !p2, p0  }
0x20: {  	[sflag:s8] =	ssyncset.s32 @!p0 $0xFFFFF086;
	s6 =	sadd.s32 @!p0 s3, s7;
	s7 =	simm.s32 @!p0 $0x108  }
0x21: {  	s3 =	sadd.s32 s3, s9;
	s6 =	sadd.s32 @!p0 $0x88, s6;
	s7 =	simm.s32 @p2 $0x1082  }
0x22: {  	[simem:s7], [sflag:s8] =	dma.local @!p0 [hbm:s6], $0xF7A  }
0x23: {  	s9 =	sor.u32 $0xD0000000, s2;
	s6 =	simm.s32 $0x108;
	_ =	swait.ge @!p0 [sflag:s8], $0x0  }
0x24: {  	s3 =	sadd.s32 $0x88, s3;
	s6 =	simm.s32 @!p1 $0x1082;
	[sflag:s4] =	ssyncset.s32 $0xFFFFF086  }
0x25: {  	[simem:s6], [sflag:s4] =	dma.local [hbm:s3], $0xF7A  }
0x26: {  	[smem:$0x3F8E] =	sst s1;
	(tag) =	ssettag s2;
	_ =	strace s9  }
0x27: {  	s1 =	sld [smem:$0x3F9E]  }
0x28: {  	s2 =	sld [smem:$0x3F9F]  }
0x29: {  	s4 =	sld [smem:$0x3FA1]  }
0x2a: {  	p0 =	seq.s32 s5, $0x0;
	s5 =	sld [smem:$0x3FA2]  }
0x2b: {  	s6 =	sld [smem:$0x3FA3]  }
0x2c: {  	s7 =	sld [smem:$0x3FA4]  }
0x2d: {  	s3 =	simm.s32 $0x108;
	s8 =	sld [smem:$0x3FA5]  }
0x2e: {  	s3 =	simm.s32 @!p0 $0x1082;
	s9 =	sld [smem:$0x3FA6]  }
0x2f: {  	lr =	sadd.s32 s0, s3;
	s0 =	sld [smem:$0x3F9D]  }
0x30: {  	s3 =	sld [smem:$0x3FA0]  }
0x31: {  	[smem:$0x3FA9] =	sst s10  }
0x32: {  	s10 =	sld [smem:$0x3FA7];
	_ =	sdelay $0x3  }
0x33: {  	p0 =	seq.s32 s10, $0x1;
	s10 =	sld [smem:$0x3FA9];
	_ =	sdelay $0x3  }
0x34: {  	[smem:$0x3FA9] =	sst s10  }
0x35: {  	s10 =	sld [smem:$0x3FA8];
	_ =	sdelay $0x3  }
0x36: {  	p1 =	seq.s32 s10, $0x1;
	s10 =	sld [smem:$0x3FA9];
	_ =	sdelay $0x3  }
0x37: {  	[smem:$0x3FA9] =	sst s10  }
0x38: {  	s10 =	sld [smem:$0x3FAA]  }
0x39: {  	_ = 	snop;
	(pc) =	sbr.ind lr, $3  }
0x3a: {  	_ = 	snop  }
0x3b: {  	_ = 	snop  }
0x3c: {  	p2 =	seq.s32 s10, $0x1;
	s10 =	sld [smem:$0x3FA9]  }
0x3d: {  	_ =	shalt  }
0x3e: {  	_ =	shalt  }
0x3f: {  	_ =	shalt  }
0x40: {  	_ =	shalt  }
0x41: {  	_ =	shalt  }
0x42: {  	_ =	shalt  }
0x43: {  	_ =	shalt  }
0x44: {  	_ =	shalt  }
0x45: {  	_ =	shalt  }
0x46: {  	_ =	shalt  }
0x47: {  	_ =	shalt  }
0x48: {  	_ =	shalt  }
0x49: {  	_ =	shalt  }
0x4a: {  	_ =	shalt  }
0x4b: {  	_ =	shalt  }
0x4c: {  	_ =	shalt  }
0x4d: {  	_ =	shalt  }
0x4e: {  	_ =	shalt  }
0x4f: {  	_ =	shalt  }
0x50: {  	_ =	shalt  }
0x51: {  	_ =	shalt  }
0x52: {  	_ =	shalt  }
0x53: {  	_ =	shalt  }
0x54: {  	_ =	shalt  }
0x55: {  	_ =	shalt  }
0x56: {  	_ =	shalt  }
0x57: {  	_ =	shalt  }
0x58: {  	_ =	shalt  }
0x59: {  	_ =	shalt  }
0x5a: {  	_ =	shalt  }
0x5b: {  	_ =	shalt  }
0x5c: {  	_ =	shalt  }
0x5d: {  	_ =	shalt  }
0x5e: {  	_ =	shalt  }
0x5f: {  	_ =	shalt  }
0x60: {  	_ =	shalt  }
0x61: {  	_ =	shalt  }
0x62: {  	_ =	shalt  }
0x63: {  	_ =	shalt  }
0x64: {  	_ =	shalt  }
0x65: {  	_ =	shalt  }
0x66: {  	_ =	shalt  }
0x67: {  	_ =	shalt  }
0x68: {  	_ =	shalt  }
0x69: {  	_ =	shalt  }
0x6a: {  	_ =	shalt  }
0x6b: {  	_ =	shalt  }
0x6c: {  	_ =	shalt  }
0x6d: {  	_ =	shalt  }
0x6e: {  	_ =	shalt  }
0x6f: {  	_ =	shalt  }
0x70: {  	_ =	shalt  }
0x71: {  	_ =	shalt  }
0x72: {  	_ =	shalt  }
0x73: {  	_ =	shalt  }
0x74: {  	_ =	shalt  }
0x75: {  	_ =	shalt  }
0x76: {  	_ =	shalt  }
0x77: {  	_ =	shalt  }
0x78: {  	_ =	shalt  }
0x79: {  	_ =	shalt  }
0x7a: {  	_ =	shalt  }
0x7b: {  	_ =	shalt  }
0x7c: {  	_ =	shalt  }
0x7d: {  	_ =	shalt  }
0x7e: {  	_ =	shalt  }
0x7f: {  	_ =	shalt  }
0x80: {  	_ =	shalt  }
0x81: {  	_ =	shalt  }
0x82: {  	_ =	shalt  }
0x83: {  	_ =	shalt  }
0x84: {  	_ =	shalt  }
0x85: {  	_ =	shalt  }
0x86: {  	_ =	shalt  }
0x87: {  	_ =	shalt  }
.Lfunc_end0:
.L_simem_size_0:
called_computation.1_lowered:
.L_overlay_start_0:
0x88: {  	s2 =	sld [smem:$0x3FD9]  }
0x89: {  	s3 =	sld [smem:$0x3FFE];
	_ =	sdelay $0x1  }
0x8a: {  	s1 =	srdreg.scid  }
0x8b: {  	s0 =	sand.u32 $0x1, s1  }
0x8c: {  	s16 =	sshll.u32 s0, $0xA;
	s2 =	sadd.s32 s3, s2  }
0x8d: {  	s2 =	sadd.s32 s2, s16  }
0x8e: {  	[smem:$0x3FB5] =	sst s2  }
0x8f: {  	_ = 	snop  }
0x90: {  	(tm) =	ssettm $0x1  }
0x91: {  	s17 =	sld [smem:$0x3FFB];
	_ =	sdelay $0x3  }
0x92: {  	_ =	strace s17  }
0x93: {  	s2 =	sld [smem:$0x3FFC];
	_ =	sdelay $0x3  }
0x94: {  	_ =	strace s2  }
0x95: {  	s2 =	sld [smem:$0x3FFD];
	_ =	sdelay $0x3  }
0x96: {  	_ =	strace s2  }
0x97: {  	_ =	strace $0x8FFFFFFF  }
0x98: {  	s18 =	sld [smem:$0x3FDB];
	_ =	sdelay $0x1  }
0x99: {  	s19 =	simm.s32 $_scs_section_size  }
0x9a: {  	s4 =	simm.s32 $_size__tile_overlayer_lowered;
	s5 =	simm.s32 $_tile_overlayer_lowered  }
0x9b: {  	s22 =	simm.s32 $0x1BFF;
	s21 =	sshll.u32 s5, $0x1;
	s2 =	sadd.s32 s19, s18  }
0x9c: {  	s6 =	simm.s32 $0x0;
	s20 =	sshll.u32 s4, $0x1;
	s4 =	sadd.s32 s21, s2  }
0x9d: {  	[timem:s6], [sflag:s22] =	dma.local [hbm:s4], s20  }
0x9e: {  	_ =	swait.ge [sflag:s22], s20  }
0x9f: {  	s3 =	ssub.s32 $0x0, s20;
	[sflag:s22] =	ssyncset.done $0x0  }
0xa0: {  	[sflag:s22] =	ssyncadd.s32 s3;
	_ =	sdelay $0x1  }
0xa1: {  	s23 =	simm.s32 $0x1B8B  }
0xa2: {  	_ =	swait.ge [sflag:s23], $0x1  }
0xa3: {  	[sflag:s23] =	ssyncset.done $0x0  }
0xa4: {  	s25 =	simm.s32 $0x1B8E;
	s24 =	sld [smem:$0x3FFE];
	[sflag:s23] =	ssyncadd.s32 $0xFFFFFFFF  }
0xa5: {  	s26 =	simm.s32 $execute0_lowered;
	[smem:$0x3FD2] =	sst s25  }
0xa6: {  	s4 =	sshll.u32 s26, $0x1;
	_ =	strace $0x80000049;
	[dreg:$0x1] =	wrdreg $0xFFFFFFFF  }
0xa7: {  	s28 =	simm.s32 $_size_execute0_lowered;
	s2 =	sadd.s32 s2, s4;
	[dreg:$0x0] =	wrdreg $0x0  }
0xa8: {  	s4 =	sshll.u32 s28, $0x1;
	[dreg:$0x2] =	wrdreg s2  }
0xa9: {  	[dreg:$0x3] =	wrdreg s4  }
0xaa: {  	[dreg:$0x4] =	wrdreg $0xC0  }
0xab: {  	_ =	task [dreg:s6], $0x5FFFF  }
0xac: {  	[dreg:$0x1] =	wrdreg $0xFFFFFFFF  }
0xad: {  	[dreg:$0x0] =	wrdreg $0x60  }
0xae: {  	[dreg:$0x2] =	wrdreg s24  }
0xaf: {  	[dreg:$0x3] =	wrdreg $0x9  }
0xb0: {  	_ =	task.clear_ibuf [dreg:s6], $0x4FFFF;
	_ =	strace $0x90000049  }
0xb1: {  	s29 =	simm.s32 $0x9;
	_ =	strace $0x8000004B  }
0xb2: {  	_ =	swait.ge [sflag:s29], $0x1  }
0xb3: {  	[sflag:s29] =	ssyncadd.s32 $0xFFFFFFFF  }
0xb4: {  	_ =	strace $0x9000004B  }
0xb5: {  	_ =	sfence  }
0xb6: {  	s30 =	sld [smem:$0x0];
	_ =	sdelay $0x2  }
0xb7: {  	s31 =	sshll.u32 s1, $0xD;
	s1 =	sshrl.u32 s1, $0x2  }
0xb8: {  	s3 =	sand.u32 $0x4000, s31;
	s1 =	sadd.s32 s1, s30  }
0xb9: {  	s0 =	sor.u32 s3, s0;
	s1 =	sshll.u32 s1, $0x11  }
0xba: {  	s0 =	sor.u32 s1, s0  }
0xbb: {  	s0 =	sadd.s32 $0x8F2B, s0  }
0xbc: {  	[sflag:s0] =	ssyncadd.remote.s32 $0x1  }
0xbd: {  	_ =	sfence.sel $0xFFFF  }
0xbe: {  	[dreg:$0x0] =	wrdreg $0xFFFFFFFF;
	(pc) =	sbr.abs _section_cstart, $3  }
0xbf: {  	[dreg:$0x1] =	wrdreg $0xFFFFFFFF  }
0xc0: {  	_ =	task.clear_ibuf [dreg:s6], $0x2FFFF;
	_ =	strace $0x9FFFFFFF  }
0xc1: {  	(tm) =	ssettm $0x7FFFFFFF  }
tec
execute0_lowered:
.L_overlay_start_1:
0x0: {  	(tag) =	ssettag $0x1  }
0x1: {  	s1 =	srdreg.scid  }
0x2: {  	s0 =	stileid.u32;
	s6 =	rddreg [dreg:$0x0]  }
0x3: {  	s19 =	simm.s32 $0x880;
	s20 =	simm.s32 $0x1080;
	s21 =	simm.s32 $0x1880  }
0x4: {  	s22 =	simm.s32 $0x2080;
	s23 =	simm.s32 $0x2880;
	s7 =	simm.s32 $0x3080  }
0x5: {  	s24 =	simm.s32 $0x3880;
	s8 =	simm.s32 $0x4080;
	s25 =	simm.s32 $0x4880  }
0x6: {  	s26 =	simm.s32 $0x5080;
	s9 =	simm.s32 $0x80;
	s1 =	sand.u32 $0x1, s1  }
0x7: {  	s11 =	simm.s32 $0x6080;
	s2 =	sshll.u32 s0, $0x7;
	s3 =	sshll.u32 s1, $0x6  }
0x8: {  	s12 =	simm.s32 $0x6880;
	s3 =	sor.u32 s3, s2;
	s2 =	simm.s32 $0x0  }
0x9: {  	s13 =	simm.s32 $0x7080;
	s14 =	simm.s32 $0x7880;
	[smem:$0x7FF] =	sst s2  }
0xa: {  	s15 =	simm.s32 $0x8080;
	_ =	strace $0x8000004A;
	[dreg:$0x4] =	wrdreg s19  }
0xb: {  	s16 =	simm.s32 $0x8880;
	s17 =	simm.s32 $0x9080;
	[dreg:$0x5] =	wrdreg s20  }
0xc: {  	s18 =	simm.s32 $0x9880;
	s28 =	simm.s32 $0xE080;
	[dreg:$0x6] =	wrdreg s21  }
0xd: {  	s29 =	simm.s32 $0xE880;
	s30 =	simm.s32 $0xF080;
	[dreg:$0x7] =	wrdreg s22  }
0xe: {  	s31 =	simm.s32 $0xF880;
	s1 =	ssub.s32 $0x2, s1;
	[dreg:$0x8] =	wrdreg s23  }
0xf: {  	s5 =	sshrl.u32 s1, $0x1;
	s4 =	sshrl.u32 s3, $0x3;
	[dreg:$0x9] =	wrdreg s7  }
0x10: {  	s3 =	sshll.u32 s3, $0x7;
	s1 =	ssub.s32 s1, s5;
	[dreg:$0xa] =	wrdreg s24  }
0x11: {  	s5 =	sadd.s32 $0x14C00, s6;
	s4 =	sadd.s32 s4, s6;
	[dreg:$0xb] =	wrdreg s8  }
0x12: {  	s3 =	sadd.s32 s3, s6;
	s7 =	smax.u32 s1, $0x1;
	[dreg:$0xc] =	wrdreg s25  }
0x13: {  	s8 =	simm.s32 $0x2;
	[dreg:$0xd] =	wrdreg s26;
	s19 =	simm.s32 $0xA080  }
0x14: {  	s20 =	simm.s32 $0xA880;
	s21 =	simm.s32 $0xB080;
	s22 =	simm.s32 $0xB880  }
0x15: {  	s23 =	simm.s32 $0xC080;
	s24 =	simm.s32 $0xC880;
	s4 =	sadd.s32 $0x64E00, s4  }
0x16: {  	v2 =	vlaneseq.u32;
	s25 =	simm.s32 $0xD080;
	s3 =	sadd.s32 $0xC4A00, s3;
	[dreg:$0x2] =	wrdreg s4  }
0x17: {  	vm0 =	vmmov $0xffff;
	v1 =	vshrl.u32 v2, $0x3;
	s26 =	simm.s32 $0xD880;
	s1 =	simm.s32 $0x1;
	[dreg:$0x3] =	wrdreg s3  }
0x18: {  	v0 =	vand.u32 $0x7, v2;
	v2 =	vor.u32 $0x8, v2;
	v1 =	vmul.u32 $0x8, v1;
	s3 =	sadd.s32 $0x14A00, s6;
	s4 =	sadd.s32 $0x14B00, s6;
	s6 =	sadd.s32 $0x14D00, s6  }
.LBB2_1:
0x19: {  	s0 =	rddreg [dreg:$0x2]  }
0x1a: {  	[tilespmem:s2], [sflag:$0x2] =	stream.linear.gather [hbm4b:s0+s2], $0x40, $0x38;
	[tilespmem:$0x10080] =	vst v63  }
0x1b: {  	_ =	swait.ge [sflag:s8], $0x40  }
0x1c: {  	[sflag:s8] =	ssyncset.done $0x0  }
0x1d: {  	[sflag:s8] =	ssyncadd.s32 $0xFFFFFFC0  }
0x1e: {  	v3 =	vld [tilespmem:$0x0];
	_ =	sdelay $0x4  }
0x1f: {  	v4 =	vshll.u32 v3, $0x3  }
0x20: {  	v3 =	vand.u32 $0x7, v3;
	v4 =	vand.u32 $0xFFFFFFC0, v4  }
0x21: {  	v3 =	vor.u32 v3, v4  }
0x22: {  	v4 =	vperm.xlane v3, v0;
	_ =	sdelay $0x1  }
0x23: {  	v4 =	vadd.s32 v1, v4;
	_ =	sdelay $0x4  }
0x24: {  	[tilespmem:s9], [sflag:$0x1] =	stream.indirect_vreg.gather [hbm4b:s3+s2], $0x80, v4, vm0, $0xb8;
	[tilespmem:$0x10080] =	vst v63  }
0x25: {  	s0 =	rddreg [dreg:$0x4];
	v3 =	vperm.xlane v3, v2  }
0x26: {  	[tilespmem:s0], [sflag:$0x1] =	stream.indirect_vreg.gather [hbm4b:s4+s2], $0x80, v4, vm0, $0xb8;
	[tilespmem:$0x10080] =	vst v63  }
0x27: {  	s10 =	rddreg [dreg:$0x5];
	v3 =	vadd.s32 v1, v3  }
0x28: {  	[tilespmem:s10], [sflag:$0x1] =	stream.indirect_vreg.gather [hbm4b:s5+s2], $0x80, v4, vm0, $0xb8;
	[tilespmem:$0x10080] =	vst v63  }
0x29: {  	s0 =	rddreg [dreg:$0x6]  }
0x2a: {  	[tilespmem:s0], [sflag:$0x1] =	stream.indirect_vreg.gather [hbm4b:s6+s2], $0x80, v4, vm0, $0xb8;
	[tilespmem:$0x10080] =	vst v63  }
0x2b: {  	s10 =	rddreg [dreg:$0x7]  }
0x2c: {  	[tilespmem:s10], [sflag:$0x1] =	stream.indirect_vreg.gather [hbm4b:s3+s2], $0x80, v3, vm0, $0xb8;
	[tilespmem:$0x10080] =	vst v63  }
0x2d: {  	s0 =	rddreg [dreg:$0x8]  }
0x2e: {  	[tilespmem:s0], [sflag:$0x1] =	stream.indirect_vreg.gather [hbm4b:s4+s2], $0x80, v3, vm0, $0xb8;
	[tilespmem:$0x10080] =	vst v63  }
0x2f: {  	s10 =	rddreg [dreg:$0x9]  }
0x30: {  	[tilespmem:s10], [sflag:$0x1] =	stream.indirect_vreg.gather [hbm4b:s5+s2], $0x80, v3, vm0, $0xb8;
	[tilespmem:$0x10080] =	vst v63  }
0x31: {  	s0 =	rddreg [dreg:$0xa]  }
0x32: {  	[tilespmem:s0], [sflag:$0x1] =	stream.indirect_vreg.gather [hbm4b:s6+s2], $0x80, v3, vm0, $0xb8;
	[tilespmem:$0x10080] =	vst v63  }
0x33: {  	v3 =	vld [tilespmem:$0x10];
	_ =	sdelay $0x4  }
0x34: {  	v61 =	vshll.u32 v3, $0x3  }
0x35: {  	v3 =	vand.u32 $0x7, v3;
	v4 =	vand.u32 $0xFFFFFFC0, v61  }
0x36: {  	v3 =	vor.u32 v3, v4  }
0x37: {  	v4 =	vperm.xlane v3, v0;
	_ =	sdelay $0x1  }
0x38: {  	v4 =	vadd.s32 v1, v4;
	_ =	sdelay $0x3  }
0x39: {  	s0 =	rddreg [dreg:$0xb]  }
0x3a: {  	[tilespmem:s0], [sflag:$0x1] =	stream.indirect_vreg.gather [hbm4b:s3+s2], $0x80, v4, vm0, $0xb8;
	[tilespmem:$0x10080] =	vst v63  }
0x3b: {  	s10 =	rddreg [dreg:$0xc];
	v3 =	vperm.xlane v3, v2  }
0x3c: {  	[tilespmem:s10], [sflag:$0x1] =	stream.indirect_vreg.gather [hbm4b:s4+s2], $0x80, v4, vm0, $0xb8;
	[tilespmem:$0x10080] =	vst v63  }
0x3d: {  	v3 =	vadd.s32 v1, v3;
	s0 =	rddreg [dreg:$0xd]  }
0x3e: {  	[tilespmem:s0], [sflag:$0x1] =	stream.indirect_vreg.gather [hbm4b:s5+s2], $0x80, v4, vm0, $0xb8;
	[tilespmem:$0x10080] =	vst v63  }
0x3f: {  	s10 =	simm.s32 $0x5880  }
0x40: {  	[tilespmem:s10], [sflag:$0x1] =	stream.indirect_vreg.gather [hbm4b:s6+s2], $0x80, v4, vm0, $0xb8;
	[tilespmem:$0x10080] =	vst v63  }
0x41: {  	_ = 	snop  }
0x42: {  	[tilespmem:s11], [sflag:$0x1] =	stream.indirect_vreg.gather [hbm4b:s3+s2], $0x80, v3, vm0, $0xb8;
	[tilespmem:$0x10080] =	vst v63  }
0x43: {  	_ = 	snop  }
0x44: {  	[tilespmem:s12], [sflag:$0x1] =	stream.indirect_vreg.gather [hbm4b:s4+s2], $0x80, v3, vm0, $0xb8;
	[tilespmem:$0x10080] =	vst v63  }
0x45: {  	_ = 	snop  }
0x46: {  	[tilespmem:s13], [sflag:$0x1] =	stream.indirect_vreg.gather [hbm4b:s5+s2], $0x80, v3, vm0, $0xb8;
	[tilespmem:$0x10080] =	vst v63  }
0x47: {  	_ = 	snop  }
0x48: {  	[tilespmem:s14], [sflag:$0x1] =	stream.indirect_vreg.gather [hbm4b:s6+s2], $0x80, v3, vm0, $0xb8;
	[tilespmem:$0x10080] =	vst v63  }
0x49: {  	v3 =	vld [tilespmem:$0x20];
	_ =	sdelay $0x4  }
0x4a: {  	v62 =	vshll.u32 v3, $0x3  }
0x4b: {  	v3 =	vand.u32 $0x7, v3;
	v4 =	vand.u32 $0xFFFFFFC0, v62  }
0x4c: {  	v3 =	vor.u32 v3, v4  }
0x4d: {  	v4 =	vperm.xlane v3, v0;
	_ =	sdelay $0x1  }
0x4e: {  	v4 =	vadd.s32 v1, v4;
	_ =	sdelay $0x4  }
0x4f: {  	[tilespmem:s15], [sflag:$0x1] =	stream.indirect_vreg.gather [hbm4b:s3+s2], $0x80, v4, vm0, $0xb8;
	[tilespmem:$0x10080] =	vst v63  }
0x50: {  	v3 =	vperm.xlane v3, v2  }
0x51: {  	[tilespmem:s16], [sflag:$0x1] =	stream.indirect_vreg.gather [hbm4b:s4+s2], $0x80, v4, vm0, $0xb8;
	[tilespmem:$0x10080] =	vst v63  }
0x52: {  	v3 =	vadd.s32 v1, v3  }
0x53: {  	[tilespmem:s17], [sflag:$0x1] =	stream.indirect_vreg.gather [hbm4b:s5+s2], $0x80, v4, vm0, $0xb8;
	[tilespmem:$0x10080] =	vst v63  }
0x54: {  	_ = 	snop  }
0x55: {  	[tilespmem:s18], [sflag:$0x1] =	stream.indirect_vreg.gather [hbm4b:s6+s2], $0x80, v4, vm0, $0xb8;
	[tilespmem:$0x10080] =	vst v63  }
0x56: {  	_ = 	snop  }
0x57: {  	[tilespmem:s19], [sflag:$0x1] =	stream.indirect_vreg.gather [hbm4b:s3+s2], $0x80, v3, vm0, $0xb8;
	[tilespmem:$0x10080] =	vst v63  }
0x58: {  	_ = 	snop  }
0x59: {  	[tilespmem:s20], [sflag:$0x1] =	stream.indirect_vreg.gather [hbm4b:s4+s2], $0x80, v3, vm0, $0xb8;
	[tilespmem:$0x10080] =	vst v63  }
0x5a: {  	_ = 	snop  }
0x5b: {  	[tilespmem:s21], [sflag:$0x1] =	stream.indirect_vreg.gather [hbm4b:s5+s2], $0x80, v3, vm0, $0xb8;
	[tilespmem:$0x10080] =	vst v63  }
0x5c: {  	_ = 	snop  }
0x5d: {  	[tilespmem:s22], [sflag:$0x1] =	stream.indirect_vreg.gather [hbm4b:s6+s2], $0x80, v3, vm0, $0xb8;
	[tilespmem:$0x10080] =	vst v63  }
0x5e: {  	v3 =	vld [tilespmem:$0x30];
	_ =	sdelay $0x4  }
0x5f: {  	v63 =	vshll.u32 v3, $0x3  }
0x60: {  	v3 =	vand.u32 $0x7, v3;
	v4 =	vand.u32 $0xFFFFFFC0, v63  }
0x61: {  	v3 =	vor.u32 v3, v4  }
0x62: {  	v4 =	vperm.xlane v3, v0;
	_ =	sdelay $0x1  }
0x63: {  	v4 =	vadd.s32 v1, v4;
	_ =	sdelay $0x4  }
0x64: {  	[tilespmem:s23], [sflag:$0x1] =	stream.indirect_vreg.gather [hbm4b:s3+s2], $0x80, v4, vm0, $0xb8;
	[tilespmem:$0x10080] =	vst v63  }
0x65: {  	v3 =	vperm.xlane v3, v2  }
0x66: {  	[tilespmem:s24], [sflag:$0x1] =	stream.indirect_vreg.gather [hbm4b:s4+s2], $0x80, v4, vm0, $0xb8;
	[tilespmem:$0x10080] =	vst v63  }
0x67: {  	v3 =	vadd.s32 v1, v3  }
0x68: {  	[tilespmem:s25], [sflag:$0x1] =	stream.indirect_vreg.gather [hbm4b:s5+s2], $0x80, v4, vm0, $0xb8;
	[tilespmem:$0x10080] =	vst v63  }
0x69: {  	_ = 	snop  }
0x6a: {  	[tilespmem:s26], [sflag:$0x1] =	stream.indirect_vreg.gather [hbm4b:s6+s2], $0x80, v4, vm0, $0xb8;
	[tilespmem:$0x10080] =	vst v63  }
0x6b: {  	_ = 	snop  }
0x6c: {  	[tilespmem:s28], [sflag:$0x1] =	stream.indirect_vreg.gather [hbm4b:s3+s2], $0x80, v3, vm0, $0xb8;
	[tilespmem:$0x10080] =	vst v63  }
0x6d: {  	_ = 	snop  }
0x6e: {  	[tilespmem:s29], [sflag:$0x1] =	stream.indirect_vreg.gather [hbm4b:s4+s2], $0x80, v3, vm0, $0xb8;
	[tilespmem:$0x10080] =	vst v63  }
0x6f: {  	_ = 	snop  }
0x70: {  	[tilespmem:s30], [sflag:$0x1] =	stream.indirect_vreg.gather [hbm4b:s5+s2], $0x80, v3, vm0, $0xb8;
	[tilespmem:$0x10080] =	vst v63  }
0x71: {  	_ = 	snop  }
0x72: {  	[tilespmem:s31], [sflag:$0x1] =	stream.indirect_vreg.gather [hbm4b:s6+s2], $0x80, v3, vm0, $0xb8;
	[tilespmem:$0x10080] =	vst v63  }
0x73: {  	_ =	swait.ge [sflag:s1], $0x10000  }
0x74: {  	p0 =	sne.s32 s7, $0x1;
	[sflag:s1] =	ssyncset.done $0x0  }
.Ltmp0:
0x75: {  	s10 =	rddreg [dreg:$0x3];
	[sflag:s1] =	ssyncadd.s32 $0xFFFF0000;
	(pc) =	sbr.rel @p0 .LBB2_1-.Ltmp0, $4  }
0x76: {  	[hbm4b:s10+s2] =	stream.linear.scatter [tilespmem:s9], [sflag:$0x2], $0x10000, $0x38;
	[tilespmem:$0x10080] =	vst v63  }
0x77: {  	_ =	swait.ge [sflag:s8], $0x10000  }
0x78: {  	[sflag:s8] =	ssyncset.done $0x0  }
0x79: {  	s7 =	sadd.s32 $0xFFFFFFFF, s7;
	[sflag:s8] =	ssyncadd.s32 $0xFFFF0000  }
0x7a: {  	_ =	sfence.sel $0x180000  }
0x7b: {  	[bflag:$0x0] =	sbarrier.arrive $0xFFFF  }
0x7c: {  	_ =	strace $0x9000004A  }
0x7d: {  	s0 =	stileid.u32;
	[bflag:$0x2] =	sbarrier.arrive $0xFFFF  }
0x7e: {  	p0 =	sne.s32 s0, $0x0;
	s0 =	rddreg [dreg:$0x1]  }
0x7f: {  	s0 =	sadd.s32 @!p0 $0x100000, s0  }
0x80: {  	[sflag:s0] =	ssyncadd.tile.s32 @!p0 $0x1;
	_ =	shalt  }
.Lfunc_end2:
_tile_overlayer_lowered:
.L_overlay_start_2:
0x81: {  	(tag) =	ssettag $0x2  }
0x82: {  	s0 =	rddreg [dreg:$0x0];
	s2 =	stileid.u32  }
0x83: {  	s1 =	rddreg [dreg:$0x1];
	p0 =	sne.s32 s2, $0x0  }
0x84: {  	s3 =	rddreg [dreg:$0x2];
	[bflag:$0x3] =	sbarrier.arrive $0xFFFF;
	s2 =	simm.s32 @!p0 $0x1C02  }
0x85: {  	[timem:s3], [sflag:s2] =	dma.local @!p0 [hbm:s0], s1  }
0x86: {  	s0 =	simm.s32 @!p0 $0x2  }
0x87: {  	_ =	swait.ge @!p0 [sflag:s0], s1  }
0x88: {  	s1 =	ssub.s32 @!p0 $0x0, s1;
	[sflag:s0] =	ssyncset.done @!p0 $0x0  }
0x89: {  	[sflag:s0] =	ssyncadd.s32 @!p0 s1  }
0x8a: {  	[bflag:$0x3] =	sbarrier.arrive $0xFFFF  }
0x8b: {  	_ =	shalt  }

</sc_bundles>
